<compile_context>
chip_gen: v7x
topology: tpu7x:2x2x1
jax: 0.10.2.dev20260603
libtpu: 0.0.44.dev20260713+nightly
codegen_flags: <defaults>
</compile_context>

<pallas_src>
import functools

import jax
import jax.numpy as jnp
from jax import lax
from jax.experimental import pallas as pl
from jax.experimental.pallas import tpu as pltpu
from jax.experimental.pallas import tpu_sc as plsc

N = 10000
E = 320000
D = 128
DH = D // 2
NPAD = 10240
NC = 2
NS = 16
NW = NC * NS
B = 80
NB2 = (E // NS) // B
NBD = NB2 // NC
NBUF = 2
RPT = NPAD // NS

_mesh = plsc.VectorSubcoreMesh(core_axis_name="c", subcore_axis_name="s")


@functools.partial(
    pl.kernel,
    out_type=jax.ShapeDtypeStruct((NC, NPAD), jnp.float32),
    mesh=_mesh,
    scratch_types=[
        pltpu.VMEM((NB2, B), jnp.int32),
        pltpu.VMEM((B,), jnp.float32),
        pltpu.VMEM((RPT,), jnp.float32),
        pltpu.VMEM_SHARED((NPAD,), jnp.float32),
    ],
)
def _sc_deg(edge_hbm, out_hbm, dstv, onesv, zerov, acc):
    cid = lax.axis_index("c")
    sid = lax.axis_index("s")
    for i in range(B // 16):
        onesv[pl.ds(i * 16, 16)] = jnp.ones((16,), jnp.float32)
    for i in range(RPT // 16):
        zerov[pl.ds(i * 16, 16)] = jnp.zeros((16,), jnp.float32)
    sl = pl.ds(sid * RPT, RPT)
    pltpu.sync_copy(zerov, acc.at[sl])
    pltpu.sync_copy(edge_hbm.at[1, sid], dstv)
    plsc.subcore_barrier()

    def body(j, carry):
        pltpu.sync_copy(onesv, acc.at[dstv.at[j]], add=True)
        return carry

    lax.fori_loop(cid * NBD, cid * NBD + NBD, body, 0)
    plsc.subcore_barrier()
    pltpu.sync_copy(acc.at[sl], out_hbm.at[cid, sl])


@functools.partial(
    pl.kernel,
    out_type=jax.ShapeDtypeStruct((N, D), jnp.float32),
    mesh=_mesh,
    compiler_params=pltpu.CompilerParams(use_tc_tiling_on_sc=False),
    scratch_types=[
        pltpu.VMEM((NB2, B), jnp.int32),
        pltpu.VMEM((NB2, B), jnp.int32),
        [pltpu.VMEM((B, DH), jnp.float32)] * NBUF,
        pltpu.VMEM_SHARED((N, DH), jnp.float32),
        pltpu.VMEM_SHARED((N, DH), jnp.float32),
        [pltpu.SemaphoreType.DMA] * NBUF,
        [pltpu.SemaphoreType.DMA] * NBUF,
    ],
)
def _sc_spmm(u_hbm, edge_hbm, out_hbm, srcv, dstv, rows, acc,
             ustage, gsem, ssem):
    cid = lax.axis_index("c")
    sid = lax.axis_index("s")
    rpt = N // NS
    sl = pl.ds(sid * rpt, rpt)
    csl = pl.ds(cid * DH, DH)
    pltpu.sync_copy(u_hbm.at[sl, csl], acc.at[sl])
    pltpu.sync_copy(u_hbm.at[sl, csl], ustage.at[sl])
    pltpu.sync_copy(edge_hbm.at[0, sid], srcv)
    pltpu.sync_copy(edge_hbm.at[1, sid], dstv)

    def g_start(jj, k):
        jw = lax.rem(jj, NB2)
        pltpu.async_copy(ustage.at[srcv.at[jw]], rows[k], gsem[k])

    def g_wait(jj, k):
        jw = lax.rem(jj, NB2)
        pltpu.make_async_copy(ustage.at[srcv.at[jw]], rows[k], gsem[k]).wait()

    def s_start(jj, k):
        pltpu.async_copy(rows[k], acc.at[dstv.at[jj]], ssem[k], add=True)

    def s_wait(jj, k):
        pltpu.make_async_copy(rows[k], acc.at[dstv.at[jj]], ssem[k]).wait()

    plsc.subcore_barrier()
    for k in range(NBUF):
        g_start(k, k)

    def body(i, carry):
        j = i * NBUF
        for k in range(NBUF):
            g_wait(j + k, k)
            s_start(j + k, k)
        for k in range(NBUF):
            s_wait(j + k, k)
            g_start(j + NBUF + k, k)
        return carry

    lax.fori_loop(0, NB2 // NBUF, body, 0)
    _base = (NB2 // NBUF) * NBUF
    for k in range(NB2 - _base):
        g_wait(_base + k, k)
        pltpu.sync_copy(rows[k], acc.at[dstv.at[_base + k]], add=True)
    for k in range(NB2 - _base, NBUF):
        g_wait(_base + k, k)
    plsc.subcore_barrier()
    pltpu.sync_copy(acc.at[sl], out_hbm.at[sl, csl])


_R = 400
_G = N // _R


def _dv(degb_ref):
    dinv = lax.rsqrt(degb_ref[0] + degb_ref[1] + 1.0)
    return jnp.concatenate([dinv, dinv], axis=1)


def _tc1_body(x_ref, w_ref, degb_ref, u_ref):
    h = jnp.dot(x_ref[...], w_ref[...], preferred_element_type=jnp.float32)
    u_ref[...] = h * _dv(degb_ref)


def _tc1(x, W1, degb):
    return pl.pallas_call(
        _tc1_body,
        grid=(_G,),
        in_specs=[
            pl.BlockSpec((_R, D), lambda i: (i, 0)),
            pl.BlockSpec((D, D), lambda i: (0, 0)),
            pl.BlockSpec((NC, _R, DH), lambda i: (0, i, 0)),
        ],
        out_specs=pl.BlockSpec((_R, D), lambda i: (i, 0)),
        out_shape=jax.ShapeDtypeStruct((N, D), jnp.float32),
    )(x, W1, degb)


def _tc2_body(s_ref, degb_ref, b1_ref, w2_ref, u2_ref):
    dv = _dv(degb_ref)
    z = jnp.maximum(s_ref[...] * dv + b1_ref[...], 0.0)
    h2 = jnp.dot(z, w2_ref[...], preferred_element_type=jnp.float32)
    u2_ref[...] = h2 * dv


def _tc2(S1, degb, b1r, W2):
    return pl.pallas_call(
        _tc2_body,
        grid=(_G,),
        in_specs=[
            pl.BlockSpec((_R, D), lambda i: (i, 0)),
            pl.BlockSpec((NC, _R, DH), lambda i: (0, i, 0)),
            pl.BlockSpec((1, D), lambda i: (0, 0)),
            pl.BlockSpec((D, D), lambda i: (0, 0)),
        ],
        out_specs=pl.BlockSpec((_R, D), lambda i: (i, 0)),
        out_shape=jax.ShapeDtypeStruct((N, D), jnp.float32),
    )(S1, degb, b1r, W2)


def _tc3_body(s_ref, degb_ref, b2_ref, o_ref):
    o_ref[...] = s_ref[...] * _dv(degb_ref) + b2_ref[...]


def _tc3(S2, degb, b2r):
    return pl.pallas_call(
        _tc3_body,
        grid=(_G,),
        in_specs=[
            pl.BlockSpec((_R, D), lambda i: (i, 0)),
            pl.BlockSpec((NC, _R, DH), lambda i: (0, i, 0)),
            pl.BlockSpec((1, D), lambda i: (0, 0)),
        ],
        out_specs=pl.BlockSpec((_R, D), lambda i: (i, 0)),
        out_shape=jax.ShapeDtypeStruct((N, D), jnp.float32),
    )(S2, degb, b2r)


def kernel(x, edge_index, W1, b1, W2, b2):
    er = edge_index.reshape(2, NS, NB2, B)
    b1r = b1.reshape(1, D)
    b2r = b2.reshape(1, D)

    degp = _sc_deg(er)
    degb = jnp.broadcast_to(degp[:, :N, None], (NC, N, DH))
    U1 = _tc1(x, W1, degb)
    S1 = _sc_spmm(U1, er)
    U2 = _tc2(S1, degb, b1r, W2)
    S2 = _sc_spmm(U2, er)
    return _tc3(S2, degb, b2r)

# --- scband reference (transcript-rebuilt; emitter-appended) ---
"""Pipeline reference for scband-gcn2-4784593568268 (READ-ONLY COPY).

The authoritative reference and input builder live on the scoring server;
editing this copy changes nothing except your own understanding.
"""

import jax, jax.numpy as jnp
import numpy as np

N = 10000
E = 320000
D_IN = 128
D_HID = 128
D_OUT = 128


def _glorot(key, shape):
    fan_in, fan_out = shape[0], shape[1]
    std = float(np.sqrt(2.0 / (fan_in + fan_out)))
    return jax.random.normal(key, shape, dtype=jnp.float32) * std


def setup_inputs(seed: int = 0) -> dict:
    key = jax.random.key(seed)
    k1, k2, k3, k4 = jax.random.split(key, 4)
    x = jax.random.normal(k1, (N, D_IN), dtype=jnp.float32)
    edge_index = jax.random.randint(k2, (2, E), 0, N, dtype=jnp.int32)
    W1 = _glorot(k3, (D_IN, D_HID))
    b1 = jnp.zeros((D_HID,), dtype=jnp.float32)
    W2 = _glorot(k4, (D_HID, D_OUT))
    b2 = jnp.zeros((D_OUT,), dtype=jnp.float32)
    return {"x": x, "edge_index": edge_index, "W1": W1, "b1": b1, "W2": W2, "b2": b2}


def _gcn_conv(x, edge_index, W, b):
    # linear transform
    h = x @ W
    src = edge_index[0]
    dst = edge_index[1]
    # add self loops (PyG GCNConv default add_self_loops=True)
    loop = jnp.arange(N, dtype=src.dtype)
    src = jnp.concatenate([src, loop])
    dst = jnp.concatenate([dst, loop])
    # symmetric normalization: deg computed on destination (in-degree incl. self-loops)
    ones = jnp.ones(src.shape[0], dtype=jnp.float32)
    deg = jax.ops.segment_sum(ones, dst, num_segments=N)
    deg_inv_sqrt = jnp.where(deg > 0, jax.lax.rsqrt(jnp.maximum(deg, 1e-12)), 0.0)
    norm = deg_inv_sqrt[src] * deg_inv_sqrt[dst]
    # gather messages, scale, scatter-add aggregate
    msg = h[src] * norm[:, None]
    out = jax.ops.segment_sum(msg, dst, num_segments=N)
    return out + b


def reference(x, edge_index, W1, b1, W2, b2):
    h = _gcn_conv(x, edge_index, W1, b1)
    h = jax.nn.relu(h)
    out = _gcn_conv(h, edge_index, W2, b2)
    return out

if __name__ == "__main__":
    import jax
    _d = setup_inputs()
    print(jax.jit(kernel)(*tuple(_d.values())))

</pallas_src>

<mosaic_0001>
#map = affine_map<(d0, d1) -> (0, 0, 0, 0)>
#map1 = affine_map<(d0, d1) -> (0, 0)>
module attributes {stable_mosaic.version = 14 : i64} {
  func.func @_sc_deg(%arg0: i32, %arg1: i32, %arg2: memref<2x16x250x80xi32, #tpu.memory_space<hbm>>, %arg3: memref<2x10240xf32, #tpu.memory_space<hbm>>, %arg4: memref<250x80xi32, #tpu.memory_space<vmem>>, %arg5: memref<80xf32, #tpu.memory_space<vmem>>, %arg6: memref<640xf32, #tpu.memory_space<vmem>>, %arg7: memref<10240xf32, #tpu.memory_space<vmem_shared>>) attributes {dimension_semantics = [#tpu.dimension_semantics<core_parallel>, #tpu.dimension_semantics<subcore_parallel>], iteration_bounds = array<i64: 2, 16>, scalar_prefetch = 0 : i64, scratch_operands = 4 : i64, tpu.core_type = #tpu.core_type<sc_vector_subcore>, window_params = [{transform_indices = #map}, {transform_indices = #map1}]} {
    %broadcast_in_dim3A = arith.constant 1.000000e+00 : f32
    %broadcast_in_dim3A_0 = vector.broadcast %broadcast_in_dim3A : f32 to vector<16xf32>
    %swap3A = arith.constant 0 : index
    %swap3A_1 = tpu.vector_load %arg5[%swap3A] {strides = array<i32>} : memref<80xf32, #tpu.memory_space<vmem>>, vector<16xf32>,
    %swap3A_2 = vector.shape_cast %swap3A_1 : vector<16xf32> to vector<16xf32>
    %swap3A_3 = vector.shape_cast %broadcast_in_dim3A_0 : vector<16xf32> to vector<16xf32>
    tpu.vector_store %arg5[%swap3A], %swap3A_3 {strides = array<i32>} : memref<80xf32, #tpu.memory_space<vmem>>, vector<16xf32>,
    %broadcast_in_dim3A_4 = arith.constant 1.000000e+00 : f32
    %broadcast_in_dim3A_5 = vector.broadcast %broadcast_in_dim3A_4 : f32 to vector<16xf32>
    %swap3A_6 = arith.constant 16 : index
    %swap3A_7 = tpu.vector_load %arg5[%swap3A_6] {strides = array<i32>} : memref<80xf32, #tpu.memory_space<vmem>>, vector<16xf32>,
    %swap3A_8 = vector.shape_cast %swap3A_7 : vector<16xf32> to vector<16xf32>
    %swap3A_9 = vector.shape_cast %broadcast_in_dim3A_5 : vector<16xf32> to vector<16xf32>
    tpu.vector_store %arg5[%swap3A_6], %swap3A_9 {strides = array<i32>} : memref<80xf32, #tpu.memory_space<vmem>>, vector<16xf32>,
    %broadcast_in_dim3A_10 = arith.constant 1.000000e+00 : f32
    %broadcast_in_dim3A_11 = vector.broadcast %broadcast_in_dim3A_10 : f32 to vector<16xf32>
    %swap3A_12 = arith.constant 32 : index
    %swap3A_13 = tpu.vector_load %arg5[%swap3A_12] {strides = array<i32>} : memref<80xf32, #tpu.memory_space<vmem>>, vector<16xf32>,
    %swap3A_14 = vector.shape_cast %swap3A_13 : vector<16xf32> to vector<16xf32>
    %swap3A_15 = vector.shape_cast %broadcast_in_dim3A_11 : vector<16xf32> to vector<16xf32>
    tpu.vector_store %arg5[%swap3A_12], %swap3A_15 {strides = array<i32>} : memref<80xf32, #tpu.memory_space<vmem>>, vector<16xf32>,
    %broadcast_in_dim3A_16 = arith.constant 1.000000e+00 : f32
    %broadcast_in_dim3A_17 = vector.broadcast %broadcast_in_dim3A_16 : f32 to vector<16xf32>
    %swap3A_18 = arith.constant 48 : index
    %swap3A_19 = tpu.vector_load %arg5[%swap3A_18] {strides = array<i32>} : memref<80xf32, #tpu.memory_space<vmem>>, vector<16xf32>,
    %swap3A_20 = vector.shape_cast %swap3A_19 : vector<16xf32> to vector<16xf32>
    %swap3A_21 = vector.shape_cast %broadcast_in_dim3A_17 : vector<16xf32> to vector<16xf32>
    tpu.vector_store %arg5[%swap3A_18], %swap3A_21 {strides = array<i32>} : memref<80xf32, #tpu.memory_space<vmem>>, vector<16xf32>,
    %broadcast_in_dim3A_22 = arith.constant 1.000000e+00 : f32
    %broadcast_in_dim3A_23 = vector.broadcast %broadcast_in_dim3A_22 : f32 to vector<16xf32>
    %swap3A_24 = arith.constant 64 : index
    %swap3A_25 = tpu.vector_load %arg5[%swap3A_24] {strides = array<i32>} : memref<80xf32, #tpu.memory_space<vmem>>, vector<16xf32>,
    %swap3A_26 = vector.shape_cast %swap3A_25 : vector<16xf32> to vector<16xf32>
    %swap3A_27 = vector.shape_cast %broadcast_in_dim3A_23 : vector<16xf32> to vector<16xf32>
    tpu.vector_store %arg5[%swap3A_24], %swap3A_27 {strides = array<i32>} : memref<80xf32, #tpu.memory_space<vmem>>, vector<16xf32>,
    %broadcast_in_dim3A_28 = arith.constant 0.000000e+00 : f32
    %broadcast_in_dim3A_29 = vector.broadcast %broadcast_in_dim3A_28 : f32 to vector<16xf32>
    %swap3A_30 = arith.constant 0 : index
    %swap3A_31 = tpu.vector_load %arg6[%swap3A_30] {strides = array<i32>} : memref<640xf32, #tpu.memory_space<vmem>>, vector<16xf32>,
    %swap3A_32 = vector.shape_cast %swap3A_31 : vector<16xf32> to vector<16xf32>
    %swap3A_33 = vector.shape_cast %broadcast_in_dim3A_29 : vector<16xf32> to vector<16xf32>
    tpu.vector_store %arg6[%swap3A_30], %swap3A_33 {strides = array<i32>} : memref<640xf32, #tpu.memory_space<vmem>>, vector<16xf32>,
    %broadcast_in_dim3A_34 = arith.constant 0.000000e+00 : f32
    %broadcast_in_dim3A_35 = vector.broadcast %broadcast_in_dim3A_34 : f32 to vector<16xf32>
    %swap3A_36 = arith.constant 16 : index
    %swap3A_37 = tpu.vector_load %arg6[%swap3A_36] {strides = array<i32>} : memref<640xf32, #tpu.memory_space<vmem>>, vector<16xf32>,
    %swap3A_38 = vector.shape_cast %swap3A_37 : vector<16xf32> to vector<16xf32>
    %swap3A_39 = vector.shape_cast %broadcast_in_dim3A_35 : vector<16xf32> to vector<16xf32>
    tpu.vector_store %arg6[%swap3A_36], %swap3A_39 {strides = array<i32>} : memref<640xf32, #tpu.memory_space<vmem>>, vector<16xf32>,
    %broadcast_in_dim3A_40 = arith.constant 0.000000e+00 : f32
    %broadcast_in_dim3A_41 = vector.broadcast %broadcast_in_dim3A_40 : f32 to vector<16xf32>
    %swap3A_42 = arith.constant 32 : index
    %swap3A_43 = tpu.vector_load %arg6[%swap3A_42] {strides = array<i32>} : memref<640xf32, #tpu.memory_space<vmem>>, vector<16xf32>,
    %swap3A_44 = vector.shape_cast %swap3A_43 : vector<16xf32> to vector<16xf32>
    %swap3A_45 = vector.shape_cast %broadcast_in_dim3A_41 : vector<16xf32> to vector<16xf32>
    tpu.vector_store %arg6[%swap3A_42], %swap3A_45 {strides = array<i32>} : memref<640xf32, #tpu.memory_space<vmem>>, vector<16xf32>,
    %broadcast_in_dim3A_46 = arith.constant 0.000000e+00 : f32
    %broadcast_in_dim3A_47 = vector.broadcast %broadcast_in_dim3A_46 : f32 to vector<16xf32>
    %swap3A_48 = arith.constant 48 : index
    %swap3A_49 = tpu.vector_load %arg6[%swap3A_48] {strides = array<i32>} : memref<640xf32, #tpu.memory_space<vmem>>, vector<16xf32>,
    %swap3A_50 = vector.shape_cast %swap3A_49 : vector<16xf32> to vector<16xf32>
    %swap3A_51 = vector.shape_cast %broadcast_in_dim3A_47 : vector<16xf32> to vector<16xf32>
    tpu.vector_store %arg6[%swap3A_48], %swap3A_51 {strides = array<i32>} : memref<640xf32, #tpu.memory_space<vmem>>, vector<16xf32>,
    %broadcast_in_dim3A_52 = arith.constant 0.000000e+00 : f32
    %broadcast_in_dim3A_53 = vector.broadcast %broadcast_in_dim3A_52 : f32 to vector<16xf32>
    %swap3A_54 = arith.constant 64 : index
    %swap3A_55 = tpu.vector_load %arg6[%swap3A_54] {strides = array<i32>} : memref<640xf32, #tpu.memory_space<vmem>>, vector<16xf32>,
    %swap3A_56 = vector.shape_cast %swap3A_55 : vector<16xf32> to vector<16xf32>
    %swap3A_57 = vector.shape_cast %broadcast_in_dim3A_53 : vector<16xf32> to vector<16xf32>
    tpu.vector_store %arg6[%swap3A_54], %swap3A_57 {strides = array<i32>} : memref<640xf32, #tpu.memory_space<vmem>>, vector<16xf32>,
    %broadcast_in_dim3A_58 = arith.constant 0.000000e+00 : f32
    %broadcast_in_dim3A_59 = vector.broadcast %broadcast_in_dim3A_58 : f32 to vector<16xf32>
    %swap3A_60 = arith.constant 80 : index
    %swap3A_61 = tpu.vector_load %arg6[%swap3A_60] {strides = array<i32>} : memref<640xf32, #tpu.memory_space<vmem>>, vector<16xf32>,
    %swap3A_62 = vector.shape_cast %swap3A_61 : vector<16xf32> to vector<16xf32>
    %swap3A_63 = vector.shape_cast %broadcast_in_dim3A_59 : vector<16xf32> to vector<16xf32>
    tpu.vector_store %arg6[%swap3A_60], %swap3A_63 {strides = array<i32>} : memref<640xf32, #tpu.memory_space<vmem>>, vector<16xf32>,
    %broadcast_in_dim3A_64 = arith.constant 0.000000e+00 : f32
    %broadcast_in_dim3A_65 = vector.broadcast %broadcast_in_dim3A_64 : f32 to vector<16xf32>
    %swap3A_66 = arith.constant 96 : index
    %swap3A_67 = tpu.vector_load %arg6[%swap3A_66] {strides = array<i32>} : memref<640xf32, #tpu.memory_space<vmem>>, vector<16xf32>,
    %swap3A_68 = vector.shape_cast %swap3A_67 : vector<16xf32> to vector<16xf32>
    %swap3A_69 = vector.shape_cast %broadcast_in_dim3A_65 : vector<16xf32> to vector<16xf32>
    tpu.vector_store %arg6[%swap3A_66], %swap3A_69 {strides = array<i32>} : memref<640xf32, #tpu.memory_space<vmem>>, vector<16xf32>,
    %broadcast_in_dim3A_70 = arith.constant 0.000000e+00 : f32
    %broadcast_in_dim3A_71 = vector.broadcast %broadcast_in_dim3A_70 : f32 to vector<16xf32>
    %swap3A_72 = arith.constant 112 : index
    %swap3A_73 = tpu.vector_load %arg6[%swap3A_72] {strides = array<i32>} : memref<640xf32, #tpu.memory_space<vmem>>, vector<16xf32>,
    %swap3A_74 = vector.shape_cast %swap3A_73 : vector<16xf32> to vector<16xf32>
    %swap3A_75 = vector.shape_cast %broadcast_in_dim3A_71 : vector<16xf32> to vector<16xf32>
    tpu.vector_store %arg6[%swap3A_72], %swap3A_75 {strides = array<i32>} : memref<640xf32, #tpu.memory_space<vmem>>, vector<16xf32>,
    %broadcast_in_dim3A_76 = arith.constant 0.000000e+00 : f32
    %broadcast_in_dim3A_77 = vector.broadcast %broadcast_in_dim3A_76 : f32 to vector<16xf32>
    %swap3A_78 = arith.constant 128 : index
    %swap3A_79 = tpu.vector_load %arg6[%swap3A_78] {strides = array<i32>} : memref<640xf32, #tpu.memory_space<vmem>>, vector<16xf32>,
    %swap3A_80 = vector.shape_cast %swap3A_79 : vector<16xf32> to vector<16xf32>
    %swap3A_81 = vector.shape_cast %broadcast_in_dim3A_77 : vector<16xf32> to vector<16xf32>
    tpu.vector_store %arg6[%swap3A_78], %swap3A_81 {strides = array<i32>} : memref<640xf32, #tpu.memory_space<vmem>>, vector<16xf32>,
    %broadcast_in_dim3A_82 = arith.constant 0.000000e+00 : f32
    %broadcast_in_dim3A_83 = vector.broadcast %broadcast_in_dim3A_82 : f32 to vector<16xf32>
    %swap3A_84 = arith.constant 144 : index
    %swap3A_85 = tpu.vector_load %arg6[%swap3A_84] {strides = array<i32>} : memref<640xf32, #tpu.memory_space<vmem>>, vector<16xf32>,
    %swap3A_86 = vector.shape_cast %swap3A_85 : vector<16xf32> to vector<16xf32>
    %swap3A_87 = vector.shape_cast %broadcast_in_dim3A_83 : vector<16xf32> to vector<16xf32>
    tpu.vector_store %arg6[%swap3A_84], %swap3A_87 {strides = array<i32>} : memref<640xf32, #tpu.memory_space<vmem>>, vector<16xf32>,
    %broadcast_in_dim3A_88 = arith.constant 0.000000e+00 : f32
    %broadcast_in_dim3A_89 = vector.broadcast %broadcast_in_dim3A_88 : f32 to vector<16xf32>
    %swap3A_90 = arith.constant 160 : index
    %swap3A_91 = tpu.vector_load %arg6[%swap3A_90] {strides = array<i32>} : memref<640xf32, #tpu.memory_space<vmem>>, vector<16xf32>,
    %swap3A_92 = vector.shape_cast %swap3A_91 : vector<16xf32> to vector<16xf32>
    %swap3A_93 = vector.shape_cast %broadcast_in_dim3A_89 : vector<16xf32> to vector<16xf32>
    tpu.vector_store %arg6[%swap3A_90], %swap3A_93 {strides = array<i32>} : memref<640xf32, #tpu.memory_space<vmem>>, vector<16xf32>,
    %broadcast_in_dim3A_94 = arith.constant 0.000000e+00 : f32
    %broadcast_in_dim3A_95 = vector.broadcast %broadcast_in_dim3A_94 : f32 to vector<16xf32>
    %swap3A_96 = arith.constant 176 : index
    %swap3A_97 = tpu.vector_load %arg6[%swap3A_96] {strides = array<i32>} : memref<640xf32, #tpu.memory_space<vmem>>, vector<16xf32>,
    %swap3A_98 = vector.shape_cast %swap3A_97 : vector<16xf32> to vector<16xf32>
    %swap3A_99 = vector.shape_cast %broadcast_in_dim3A_95 : vector<16xf32> to vector<16xf32>
    tpu.vector_store %arg6[%swap3A_96], %swap3A_99 {strides = array<i32>} : memref<640xf32, #tpu.memory_space<vmem>>, vector<16xf32>,
    %broadcast_in_dim3A_100 = arith.constant 0.000000e+00 : f32
    %broadcast_in_dim3A_101 = vector.broadcast %broadcast_in_dim3A_100 : f32 to vector<16xf32>
    %swap3A_102 = arith.constant 192 : index
    %swap3A_103 = tpu.vector_load %arg6[%swap3A_102] {strides = array<i32>} : memref<640xf32, #tpu.memory_space<vmem>>, vector<16xf32>,
    %swap3A_104 = vector.shape_cast %swap3A_103 : vector<16xf32> to vector<16xf32>
    %swap3A_105 = vector.shape_cast %broadcast_in_dim3A_101 : vector<16xf32> to vector<16xf32>
    tpu.vector_store %arg6[%swap3A_102], %swap3A_105 {strides = array<i32>} : memref<640xf32, #tpu.memory_space<vmem>>, vector<16xf32>,
    %broadcast_in_dim3A_106 = arith.constant 0.000000e+00 : f32
    %broadcast_in_dim3A_107 = vector.broadcast %broadcast_in_dim3A_106 : f32 to vector<16xf32>
    %swap3A_108 = arith.constant 208 : index
    %swap3A_109 = tpu.vector_load %arg6[%swap3A_108] {strides = array<i32>} : memref<640xf32, #tpu.memory_space<vmem>>, vector<16xf32>,
    %swap3A_110 = vector.shape_cast %swap3A_109 : vector<16xf32> to vector<16xf32>
    %swap3A_111 = vector.shape_cast %broadcast_in_dim3A_107 : vector<16xf32> to vector<16xf32>
    tpu.vector_store %arg6[%swap3A_108], %swap3A_111 {strides = array<i32>} : memref<640xf32, #tpu.memory_space<vmem>>, vector<16xf32>,
    %broadcast_in_dim3A_112 = arith.constant 0.000000e+00 : f32
    %broadcast_in_dim3A_113 = vector.broadcast %broadcast_in_dim3A_112 : f32 to vector<16xf32>
    %swap3A_114 = arith.constant 224 : index
    %swap3A_115 = tpu.vector_load %arg6[%swap3A_114] {strides = array<i32>} : memref<640xf32, #tpu.memory_space<vmem>>, vector<16xf32>,
    %swap3A_116 = vector.shape_cast %swap3A_115 : vector<16xf32> to vector<16xf32>
    %swap3A_117 = vector.shape_cast %broadcast_in_dim3A_113 : vector<16xf32> to vector<16xf32>
    tpu.vector_store %arg6[%swap3A_114], %swap3A_117 {strides = array<i32>} : memref<640xf32, #tpu.memory_space<vmem>>, vector<16xf32>,
    %broadcast_in_dim3A_118 = arith.constant 0.000000e+00 : f32
    %broadcast_in_dim3A_119 = vector.broadcast %broadcast_in_dim3A_118 : f32 to vector<16xf32>
    %swap3A_120 = arith.constant 240 : index
    %swap3A_121 = tpu.vector_load %arg6[%swap3A_120] {strides = array<i32>} : memref<640xf32, #tpu.memory_space<vmem>>, vector<16xf32>,
    %swap3A_122 = vector.shape_cast %swap3A_121 : vector<16xf32> to vector<16xf32>
    %swap3A_123 = vector.shape_cast %broadcast_in_dim3A_119 : vector<16xf32> to vector<16xf32>
    tpu.vector_store %arg6[%swap3A_120], %swap3A_123 {strides = array<i32>} : memref<640xf32, #tpu.memory_space<vmem>>, vector<16xf32>,
    %broadcast_in_dim3A_124 = arith.constant 0.000000e+00 : f32
    %broadcast_in_dim3A_125 = vector.broadcast %broadcast_in_dim3A_124 : f32 to vector<16xf32>
    %swap3A_126 = arith.constant 256 : index
    %swap3A_127 = tpu.vector_load %arg6[%swap3A_126] {strides = array<i32>} : memref<640xf32, #tpu.memory_space<vmem>>, vector<16xf32>,
    %swap3A_128 = vector.shape_cast %swap3A_127 : vector<16xf32> to vector<16xf32>
    %swap3A_129 = vector.shape_cast %broadcast_in_dim3A_125 : vector<16xf32> to vector<16xf32>
    tpu.vector_store %arg6[%swap3A_126], %swap3A_129 {strides = array<i32>} : memref<640xf32, #tpu.memory_space<vmem>>, vector<16xf32>,
    %broadcast_in_dim3A_130 = arith.constant 0.000000e+00 : f32
    %broadcast_in_dim3A_131 = vector.broadcast %broadcast_in_dim3A_130 : f32 to vector<16xf32>
    %swap3A_132 = arith.constant 272 : index
    %swap3A_133 = tpu.vector_load %arg6[%swap3A_132] {strides = array<i32>} : memref<640xf32, #tpu.memory_space<vmem>>, vector<16xf32>,
    %swap3A_134 = vector.shape_cast %swap3A_133 : vector<16xf32> to vector<16xf32>
    %swap3A_135 = vector.shape_cast %broadcast_in_dim3A_131 : vector<16xf32> to vector<16xf32>
    tpu.vector_store %arg6[%swap3A_132], %swap3A_135 {strides = array<i32>} : memref<640xf32, #tpu.memory_space<vmem>>, vector<16xf32>,
    %broadcast_in_dim3A_136 = arith.constant 0.000000e+00 : f32
    %broadcast_in_dim3A_137 = vector.broadcast %broadcast_in_dim3A_136 : f32 to vector<16xf32>
    %swap3A_138 = arith.constant 288 : index
    %swap3A_139 = tpu.vector_load %arg6[%swap3A_138] {strides = array<i32>} : memref<640xf32, #tpu.memory_space<vmem>>, vector<16xf32>,
    %swap3A_140 = vector.shape_cast %swap3A_139 : vector<16xf32> to vector<16xf32>
    %swap3A_141 = vector.shape_cast %broadcast_in_dim3A_137 : vector<16xf32> to vector<16xf32>
    tpu.vector_store %arg6[%swap3A_138], %swap3A_141 {strides = array<i32>} : memref<640xf32, #tpu.memory_space<vmem>>, vector<16xf32>,
    %broadcast_in_dim3A_142 = arith.constant 0.000000e+00 : f32
    %broadcast_in_dim3A_143 = vector.broadcast %broadcast_in_dim3A_142 : f32 to vector<16xf32>
    %swap3A_144 = arith.constant 304 : index
    %swap3A_145 = tpu.vector_load %arg6[%swap3A_144] {strides = array<i32>} : memref<640xf32, #tpu.memory_space<vmem>>, vector<16xf32>,
    %swap3A_146 = vector.shape_cast %swap3A_145 : vector<16xf32> to vector<16xf32>
    %swap3A_147 = vector.shape_cast %broadcast_in_dim3A_143 : vector<16xf32> to vector<16xf32>
    tpu.vector_store %arg6[%swap3A_144], %swap3A_147 {strides = array<i32>} : memref<640xf32, #tpu.memory_space<vmem>>, vector<16xf32>,
    %broadcast_in_dim3A_148 = arith.constant 0.000000e+00 : f32
    %broadcast_in_dim3A_149 = vector.broadcast %broadcast_in_dim3A_148 : f32 to vector<16xf32>
    %swap3A_150 = arith.constant 320 : index
    %swap3A_151 = tpu.vector_load %arg6[%swap3A_150] {strides = array<i32>} : memref<640xf32, #tpu.memory_space<vmem>>, vector<16xf32>,
    %swap3A_152 = vector.shape_cast %swap3A_151 : vector<16xf32> to vector<16xf32>
    %swap3A_153 = vector.shape_cast %broadcast_in_dim3A_149 : vector<16xf32> to vector<16xf32>
    tpu.vector_store %arg6[%swap3A_150], %swap3A_153 {strides = array<i32>} : memref<640xf32, #tpu.memory_space<vmem>>, vector<16xf32>,
    %broadcast_in_dim3A_154 = arith.constant 0.000000e+00 : f32
    %broadcast_in_dim3A_155 = vector.broadcast %broadcast_in_dim3A_154 : f32 to vector<16xf32>
    %swap3A_156 = arith.constant 336 : index
    %swap3A_157 = tpu.vector_load %arg6[%swap3A_156] {strides = array<i32>} : memref<640xf32, #tpu.memory_space<vmem>>, vector<16xf32>,
    %swap3A_158 = vector.shape_cast %swap3A_157 : vector<16xf32> to vector<16xf32>
    %swap3A_159 = vector.shape_cast %broadcast_in_dim3A_155 : vector<16xf32> to vector<16xf32>
    tpu.vector_store %arg6[%swap3A_156], %swap3A_159 {strides = array<i32>} : memref<640xf32, #tpu.memory_space<vmem>>, vector<16xf32>,
    %broadcast_in_dim3A_160 = arith.constant 0.000000e+00 : f32
    %broadcast_in_dim3A_161 = vector.broadcast %broadcast_in_dim3A_160 : f32 to vector<16xf32>
    %swap3A_162 = arith.constant 352 : index
    %swap3A_163 = tpu.vector_load %arg6[%swap3A_162] {strides = array<i32>} : memref<640xf32, #tpu.memory_space<vmem>>, vector<16xf32>,
    %swap3A_164 = vector.shape_cast %swap3A_163 : vector<16xf32> to vector<16xf32>
    %swap3A_165 = vector.shape_cast %broadcast_in_dim3A_161 : vector<16xf32> to vector<16xf32>
    tpu.vector_store %arg6[%swap3A_162], %swap3A_165 {strides = array<i32>} : memref<640xf32, #tpu.memory_space<vmem>>, vector<16xf32>,
    %broadcast_in_dim3A_166 = arith.constant 0.000000e+00 : f32
    %broadcast_in_dim3A_167 = vector.broadcast %broadcast_in_dim3A_166 : f32 to vector<16xf32>
    %swap3A_168 = arith.constant 368 : index
    %swap3A_169 = tpu.vector_load %arg6[%swap3A_168] {strides = array<i32>} : memref<640xf32, #tpu.memory_space<vmem>>, vector<16xf32>,
    %swap3A_170 = vector.shape_cast %swap3A_169 : vector<16xf32> to vector<16xf32>
    %swap3A_171 = vector.shape_cast %broadcast_in_dim3A_167 : vector<16xf32> to vector<16xf32>
    tpu.vector_store %arg6[%swap3A_168], %swap3A_171 {strides = array<i32>} : memref<640xf32, #tpu.memory_space<vmem>>, vector<16xf32>,
    %broadcast_in_dim3A_172 = arith.constant 0.000000e+00 : f32
    %broadcast_in_dim3A_173 = vector.broadcast %broadcast_in_dim3A_172 : f32 to vector<16xf32>
    %swap3A_174 = arith.constant 384 : index
    %swap3A_175 = tpu.vector_load %arg6[%swap3A_174] {strides = array<i32>} : memref<640xf32, #tpu.memory_space<vmem>>, vector<16xf32>,
    %swap3A_176 = vector.shape_cast %swap3A_175 : vector<16xf32> to vector<16xf32>
    %swap3A_177 = vector.shape_cast %broadcast_in_dim3A_173 : vector<16xf32> to vector<16xf32>
    tpu.vector_store %arg6[%swap3A_174], %swap3A_177 {strides = array<i32>} : memref<640xf32, #tpu.memory_space<vmem>>, vector<16xf32>,
    %broadcast_in_dim3A_178 = arith.constant 0.000000e+00 : f32
    %broadcast_in_dim3A_179 = vector.broadcast %broadcast_in_dim3A_178 : f32 to vector<16xf32>
    %swap3A_180 = arith.constant 400 : index
    %swap3A_181 = tpu.vector_load %arg6[%swap3A_180] {strides = array<i32>} : memref<640xf32, #tpu.memory_space<vmem>>, vector<16xf32>,
    %swap3A_182 = vector.shape_cast %swap3A_181 : vector<16xf32> to vector<16xf32>
    %swap3A_183 = vector.shape_cast %broadcast_in_dim3A_179 : vector<16xf32> to vector<16xf32>
    tpu.vector_store %arg6[%swap3A_180], %swap3A_183 {strides = array<i32>} : memref<640xf32, #tpu.memory_space<vmem>>, vector<16xf32>,
    %broadcast_in_dim3A_184 = arith.constant 0.000000e+00 : f32
    %broadcast_in_dim3A_185 = vector.broadcast %broadcast_in_dim3A_184 : f32 to vector<16xf32>
    %swap3A_186 = arith.constant 416 : index
    %swap3A_187 = tpu.vector_load %arg6[%swap3A_186] {strides = array<i32>} : memref<640xf32, #tpu.memory_space<vmem>>, vector<16xf32>,
    %swap3A_188 = vector.shape_cast %swap3A_187 : vector<16xf32> to vector<16xf32>
    %swap3A_189 = vector.shape_cast %broadcast_in_dim3A_185 : vector<16xf32> to vector<16xf32>
    tpu.vector_store %arg6[%swap3A_186], %swap3A_189 {strides = array<i32>} : memref<640xf32, #tpu.memory_space<vmem>>, vector<16xf32>,
    %broadcast_in_dim3A_190 = arith.constant 0.000000e+00 : f32
    %broadcast_in_dim3A_191 = vector.broadcast %broadcast_in_dim3A_190 : f32 to vector<16xf32>
    %swap3A_192 = arith.constant 432 : index
    %swap3A_193 = tpu.vector_load %arg6[%swap3A_192] {strides = array<i32>} : memref<640xf32, #tpu.memory_space<vmem>>, vector<16xf32>,
    %swap3A_194 = vector.shape_cast %swap3A_193 : vector<16xf32> to vector<16xf32>
    %swap3A_195 = vector.shape_cast %broadcast_in_dim3A_191 : vector<16xf32> to vector<16xf32>
    tpu.vector_store %arg6[%swap3A_192], %swap3A_195 {strides = array<i32>} : memref<640xf32, #tpu.memory_space<vmem>>, vector<16xf32>,
    %broadcast_in_dim3A_196 = arith.constant 0.000000e+00 : f32
    %broadcast_in_dim3A_197 = vector.broadcast %broadcast_in_dim3A_196 : f32 to vector<16xf32>
    %swap3A_198 = arith.constant 448 : index
    %swap3A_199 = tpu.vector_load %arg6[%swap3A_198] {strides = array<i32>} : memref<640xf32, #tpu.memory_space<vmem>>, vector<16xf32>,
    %swap3A_200 = vector.shape_cast %swap3A_199 : vector<16xf32> to vector<16xf32>
    %swap3A_201 = vector.shape_cast %broadcast_in_dim3A_197 : vector<16xf32> to vector<16xf32>
    tpu.vector_store %arg6[%swap3A_198], %swap3A_201 {strides = array<i32>} : memref<640xf32, #tpu.memory_space<vmem>>, vector<16xf32>,
    %broadcast_in_dim3A_202 = arith.constant 0.000000e+00 : f32
    %broadcast_in_dim3A_203 = vector.broadcast %broadcast_in_dim3A_202 : f32 to vector<16xf32>
    %swap3A_204 = arith.constant 464 : index
    %swap3A_205 = tpu.vector_load %arg6[%swap3A_204] {strides = array<i32>} : memref<640xf32, #tpu.memory_space<vmem>>, vector<16xf32>,
    %swap3A_206 = vector.shape_cast %swap3A_205 : vector<16xf32> to vector<16xf32>
    %swap3A_207 = vector.shape_cast %broadcast_in_dim3A_203 : vector<16xf32> to vector<16xf32>
    tpu.vector_store %arg6[%swap3A_204], %swap3A_207 {strides = array<i32>} : memref<640xf32, #tpu.memory_space<vmem>>, vector<16xf32>,
    %broadcast_in_dim3A_208 = arith.constant 0.000000e+00 : f32
    %broadcast_in_dim3A_209 = vector.broadcast %broadcast_in_dim3A_208 : f32 to vector<16xf32>
    %swap3A_210 = arith.constant 480 : index
    %swap3A_211 = tpu.vector_load %arg6[%swap3A_210] {strides = array<i32>} : memref<640xf32, #tpu.memory_space<vmem>>, vector<16xf32>,
    %swap3A_212 = vector.shape_cast %swap3A_211 : vector<16xf32> to vector<16xf32>
    %swap3A_213 = vector.shape_cast %broadcast_in_dim3A_209 : vector<16xf32> to vector<16xf32>
    tpu.vector_store %arg6[%swap3A_210], %swap3A_213 {strides = array<i32>} : memref<640xf32, #tpu.memory_space<vmem>>, vector<16xf32>,
    %broadcast_in_dim3A_214 = arith.constant 0.000000e+00 : f32
    %broadcast_in_dim3A_215 = vector.broadcast %broadcast_in_dim3A_214 : f32 to vector<16xf32>
    %swap3A_216 = arith.constant 496 : index
    %swap3A_217 = tpu.vector_load %arg6[%swap3A_216] {strides = array<i32>} : memref<640xf32, #tpu.memory_space<vmem>>, vector<16xf32>,
    %swap3A_218 = vector.shape_cast %swap3A_217 : vector<16xf32> to vector<16xf32>
    %swap3A_219 = vector.shape_cast %broadcast_in_dim3A_215 : vector<16xf32> to vector<16xf32>
    tpu.vector_store %arg6[%swap3A_216], %swap3A_219 {strides = array<i32>} : memref<640xf32, #tpu.memory_space<vmem>>, vector<16xf32>,
    %broadcast_in_dim3A_220 = arith.constant 0.000000e+00 : f32
    %broadcast_in_dim3A_221 = vector.broadcast %broadcast_in_dim3A_220 : f32 to vector<16xf32>
    %swap3A_222 = arith.constant 512 : index
    %swap3A_223 = tpu.vector_load %arg6[%swap3A_222] {strides = array<i32>} : memref<640xf32, #tpu.memory_space<vmem>>, vector<16xf32>,
    %swap3A_224 = vector.shape_cast %swap3A_223 : vector<16xf32> to vector<16xf32>
    %swap3A_225 = vector.shape_cast %broadcast_in_dim3A_221 : vector<16xf32> to vector<16xf32>
    tpu.vector_store %arg6[%swap3A_222], %swap3A_225 {strides = array<i32>} : memref<640xf32, #tpu.memory_space<vmem>>, vector<16xf32>,
    %broadcast_in_dim3A_226 = arith.constant 0.000000e+00 : f32
    %broadcast_in_dim3A_227 = vector.broadcast %broadcast_in_dim3A_226 : f32 to vector<16xf32>
    %swap3A_228 = arith.constant 528 : index
    %swap3A_229 = tpu.vector_load %arg6[%swap3A_228] {strides = array<i32>} : memref<640xf32, #tpu.memory_space<vmem>>, vector<16xf32>,
    %swap3A_230 = vector.shape_cast %swap3A_229 : vector<16xf32> to vector<16xf32>
    %swap3A_231 = vector.shape_cast %broadcast_in_dim3A_227 : vector<16xf32> to vector<16xf32>
    tpu.vector_store %arg6[%swap3A_228], %swap3A_231 {strides = array<i32>} : memref<640xf32, #tpu.memory_space<vmem>>, vector<16xf32>,
    %broadcast_in_dim3A_232 = arith.constant 0.000000e+00 : f32
    %broadcast_in_dim3A_233 = vector.broadcast %broadcast_in_dim3A_232 : f32 to vector<16xf32>
    %swap3A_234 = arith.constant 544 : index
    %swap3A_235 = tpu.vector_load %arg6[%swap3A_234] {strides = array<i32>} : memref<640xf32, #tpu.memory_space<vmem>>, vector<16xf32>,
    %swap3A_236 = vector.shape_cast %swap3A_235 : vector<16xf32> to vector<16xf32>
    %swap3A_237 = vector.shape_cast %broadcast_in_dim3A_233 : vector<16xf32> to vector<16xf32>
    tpu.vector_store %arg6[%swap3A_234], %swap3A_237 {strides = array<i32>} : memref<640xf32, #tpu.memory_space<vmem>>, vector<16xf32>,
    %broadcast_in_dim3A_238 = arith.constant 0.000000e+00 : f32
    %broadcast_in_dim3A_239 = vector.broadcast %broadcast_in_dim3A_238 : f32 to vector<16xf32>
    %swap3A_240 = arith.constant 560 : index
    %swap3A_241 = tpu.vector_load %arg6[%swap3A_240] {strides = array<i32>} : memref<640xf32, #tpu.memory_space<vmem>>, vector<16xf32>,
    %swap3A_242 = vector.shape_cast %swap3A_241 : vector<16xf32> to vector<16xf32>
    %swap3A_243 = vector.shape_cast %broadcast_in_dim3A_239 : vector<16xf32> to vector<16xf32>
    tpu.vector_store %arg6[%swap3A_240], %swap3A_243 {strides = array<i32>} : memref<640xf32, #tpu.memory_space<vmem>>, vector<16xf32>,
    %broadcast_in_dim3A_244 = arith.constant 0.000000e+00 : f32
    %broadcast_in_dim3A_245 = vector.broadcast %broadcast_in_dim3A_244 : f32 to vector<16xf32>
    %swap3A_246 = arith.constant 576 : index
    %swap3A_247 = tpu.vector_load %arg6[%swap3A_246] {strides = array<i32>} : memref<640xf32, #tpu.memory_space<vmem>>, vector<16xf32>,
    %swap3A_248 = vector.shape_cast %swap3A_247 : vector<16xf32> to vector<16xf32>
    %swap3A_249 = vector.shape_cast %broadcast_in_dim3A_245 : vector<16xf32> to vector<16xf32>
    tpu.vector_store %arg6[%swap3A_246], %swap3A_249 {strides = array<i32>} : memref<640xf32, #tpu.memory_space<vmem>>, vector<16xf32>,
    %broadcast_in_dim3A_250 = arith.constant 0.000000e+00 : f32
    %broadcast_in_dim3A_251 = vector.broadcast %broadcast_in_dim3A_250 : f32 to vector<16xf32>
    %swap3A_252 = arith.constant 592 : index
    %swap3A_253 = tpu.vector_load %arg6[%swap3A_252] {strides = array<i32>} : memref<640xf32, #tpu.memory_space<vmem>>, vector<16xf32>,
    %swap3A_254 = vector.shape_cast %swap3A_253 : vector<16xf32> to vector<16xf32>
    %swap3A_255 = vector.shape_cast %broadcast_in_dim3A_251 : vector<16xf32> to vector<16xf32>
    tpu.vector_store %arg6[%swap3A_252], %swap3A_255 {strides = array<i32>} : memref<640xf32, #tpu.memory_space<vmem>>, vector<16xf32>,
    %broadcast_in_dim3A_256 = arith.constant 0.000000e+00 : f32
    %broadcast_in_dim3A_257 = vector.broadcast %broadcast_in_dim3A_256 : f32 to vector<16xf32>
    %swap3A_258 = arith.constant 608 : index
    %swap3A_259 = tpu.vector_load %arg6[%swap3A_258] {strides = array<i32>} : memref<640xf32, #tpu.memory_space<vmem>>, vector<16xf32>,
    %swap3A_260 = vector.shape_cast %swap3A_259 : vector<16xf32> to vector<16xf32>
    %swap3A_261 = vector.shape_cast %broadcast_in_dim3A_257 : vector<16xf32> to vector<16xf32>
    tpu.vector_store %arg6[%swap3A_258], %swap3A_261 {strides = array<i32>} : memref<640xf32, #tpu.memory_space<vmem>>, vector<16xf32>,
    %broadcast_in_dim3A_262 = arith.constant 0.000000e+00 : f32
    %broadcast_in_dim3A_263 = vector.broadcast %broadcast_in_dim3A_262 : f32 to vector<16xf32>
    %swap3A_264 = arith.constant 624 : index
    %swap3A_265 = tpu.vector_load %arg6[%swap3A_264] {strides = array<i32>} : memref<640xf32, #tpu.memory_space<vmem>>, vector<16xf32>,
    %swap3A_266 = vector.shape_cast %swap3A_265 : vector<16xf32> to vector<16xf32>
    %swap3A_267 = vector.shape_cast %broadcast_in_dim3A_263 : vector<16xf32> to vector<16xf32>
    tpu.vector_store %arg6[%swap3A_264], %swap3A_267 {strides = array<i32>} : memref<640xf32, #tpu.memory_space<vmem>>, vector<16xf32>,
    %mul3A = arith.constant 640 : i32
    %mul3A_268 = arith.muli %arg1, %mul3A : i32
    "tpu.region"() ({
      %run_scoped3A_283 = tpu.sem_alloc : memref<!tpu.dma_semaphore, #tpu.memory_space<semaphore_mem>>
      %dma_start3A = tpu.memref_slice %arg7[%mul3A_268] : memref<10240xf32, #tpu.memory_space<vmem_shared>> -> memref<640xf32, #tpu.memory_space<vmem_shared>>
      %dma_start3A_284 = tpu.memref_slice %arg7[%mul3A_268] : memref<10240xf32, #tpu.memory_space<vmem_shared>> -> memref<640xf32, #tpu.memory_space<vmem_shared>>
      tpu.enqueue_dma source(%arg6 : memref<640xf32, #tpu.memory_space<vmem>>) target(%dma_start3A_284 : memref<640xf32, #tpu.memory_space<vmem_shared>>) target_semaphore(%run_scoped3A_283 : memref<!tpu.dma_semaphore, #tpu.memory_space<semaphore_mem>>)
      %dma_wait3A = tpu.memref_slice %arg7[%mul3A_268] : memref<10240xf32, #tpu.memory_space<vmem_shared>> -> memref<640xf32, #tpu.memory_space<vmem_shared>>
      %dma_wait3A_285 = tpu.memref_slice %arg7[%mul3A_268] : memref<10240xf32, #tpu.memory_space<vmem_shared>> -> memref<640xf32, #tpu.memory_space<vmem_shared>>
      tpu.wait_dma2 semaphore(%run_scoped3A_283 : memref<!tpu.dma_semaphore, #tpu.memory_space<semaphore_mem>>) src(%arg6 : memref<640xf32, #tpu.memory_space<vmem>>) dst(%dma_wait3A_285 : memref<640xf32, #tpu.memory_space<vmem_shared>>)
      tpu.yield
    }) : () -> ()
    %run_scoped3A = arith.constant 1 : i32
    "tpu.region"() ({
      %run_scoped3A_283 = tpu.sem_alloc : memref<!tpu.dma_semaphore, #tpu.memory_space<semaphore_mem>>
      %dma_start3A = arith.constant 0 : i32
      %dma_start3A_284 = arith.constant 0 : i32
      %dma_start3A_285 = tpu.memref_slice %arg2[%run_scoped3A, %arg1, %dma_start3A, %dma_start3A_284] : memref<2x16x250x80xi32, #tpu.memory_space<hbm>> -> memref<1x1x250x80xi32, #tpu.memory_space<hbm>>
      %dma_start3A_286 = tpu.memref_squeeze %dma_start3A_285 : memref<1x1x250x80xi32, #tpu.memory_space<hbm>> -> memref<250x80xi32, #tpu.memory_space<hbm>>
      %dma_start3A_287 = arith.constant 0 : i32
      %dma_start3A_288 = arith.constant 0 : i32
      %dma_start3A_289 = tpu.memref_slice %arg2[%run_scoped3A, %arg1, %dma_start3A_287, %dma_start3A_288] : memref<2x16x250x80xi32, #tpu.memory_space<hbm>> -> memref<1x1x250x80xi32, #tpu.memory_space<hbm>>
      %dma_start3A_290 = tpu.memref_squeeze %dma_start3A_289 : memref<1x1x250x80xi32, #tpu.memory_space<hbm>> -> memref<250x80xi32, #tpu.memory_space<hbm>>
      tpu.enqueue_dma source(%dma_start3A_290 : memref<250x80xi32, #tpu.memory_space<hbm>>) target(%arg4 : memref<250x80xi32, #tpu.memory_space<vmem>>) target_semaphore(%run_scoped3A_283 : memref<!tpu.dma_semaphore, #tpu.memory_space<semaphore_mem>>)
      %dma_wait3A = arith.constant 0 : i32
      %dma_wait3A_291 = arith.constant 0 : i32
      %dma_wait3A_292 = tpu.memref_slice %arg2[%run_scoped3A, %arg1, %dma_wait3A, %dma_wait3A_291] : memref<2x16x250x80xi32, #tpu.memory_space<hbm>> -> memref<1x1x250x80xi32, #tpu.memory_space<hbm>>
      %dma_wait3A_293 = tpu.memref_squeeze %dma_wait3A_292 : memref<1x1x250x80xi32, #tpu.memory_space<hbm>> -> memref<250x80xi32, #tpu.memory_space<hbm>>
      %dma_wait3A_294 = arith.constant 0 : i32
      %dma_wait3A_295 = arith.constant 0 : i32
      %dma_wait3A_296 = tpu.memref_slice %arg2[%run_scoped3A, %arg1, %dma_wait3A_294, %dma_wait3A_295] : memref<2x16x250x80xi32, #tpu.memory_space<hbm>> -> memref<1x1x250x80xi32, #tpu.memory_space<hbm>>
      %dma_wait3A_297 = tpu.memref_squeeze %dma_wait3A_296 : memref<1x1x250x80xi32, #tpu.memory_space<hbm>> -> memref<250x80xi32, #tpu.memory_space<hbm>>
      tpu.wait_dma2 semaphore(%run_scoped3A_283 : memref<!tpu.dma_semaphore, #tpu.memory_space<semaphore_mem>>) src(%dma_wait3A_297 : memref<250x80xi32, #tpu.memory_space<hbm>>) dst(%arg4 : memref<250x80xi32, #tpu.memory_space<vmem>>)
      tpu.yield
    }) : () -> ()
    %barrier3A = arith.constant 0 : index
    tpu.barrier barrier_id(%barrier3A)
    %mul3A_269 = arith.constant 125 : i32
    %mul3A_270 = arith.muli %arg0, %mul3A_269 : i32
    %mul3A_271 = arith.constant 125 : i32
    %mul3A_272 = arith.muli %arg0, %mul3A_271 : i32
    %add3A = arith.constant 125 : i32
    %add3A_273 = arith.addi %mul3A_272, %add3A : i32
    %while3A = arith.constant 0 : i32
    %while3A_274 = arith.subi %add3A_273, %mul3A_270 : i32
    %while3A_275 = arith.addi %mul3A_270, %while3A_274 : i32
    %while3A_276 = arith.constant 1 : i32
    %while3A_277 = arith.divsi %while3A_274, %while3A_276 : i32
    %while3A_278 = arith.muli %while3A_277, %while3A_276 : i32
    %while3A_279 = arith.addi %mul3A_270, %while3A_278 : i32
    %while3A_280 = arith.constant 1 : i32
    scf.for %while3A_283 = %mul3A_270 to %while3A_279 step %while3A_280  : i32 {
      "tpu.region"() ({
        %run_scoped3A_284 = tpu.sem_alloc : memref<!tpu.dma_semaphore, #tpu.memory_space<semaphore_mem>>
        %dma_start3A = arith.constant 0 : i32
        %dma_start3A_285 = tpu.memref_slice %arg4[%while3A_283, %dma_start3A] : memref<250x80xi32, #tpu.memory_space<vmem>> -> memref<1x80xi32, #tpu.memory_space<vmem>>
        %dma_start3A_286 = tpu.memref_squeeze %dma_start3A_285 : memref<1x80xi32, #tpu.memory_space<vmem>> -> memref<80xi32, #tpu.memory_space<vmem>>
        %dma_start3A_287 = arith.constant 0 : i32
        %dma_start3A_288 = tpu.memref_slice %arg7[%dma_start3A_287] : memref<10240xf32, #tpu.memory_space<vmem_shared>> -> memref<10240xf32, #tpu.memory_space<vmem_shared>>
        tpu.enqueue_indirect_dma source(%arg5 : memref<80xf32, #tpu.memory_space<vmem>>) target(%dma_start3A_288 : memref<10240xf32, #tpu.memory_space<vmem_shared>>) offsets(%dma_start3A_286 : memref<80xi32, #tpu.memory_space<vmem>>) semaphore(%run_scoped3A_284 : memref<!tpu.dma_semaphore, #tpu.memory_space<semaphore_mem>>) {add = true}
        %dma_wait3A = arith.constant 0 : i32
        %dma_wait3A_289 = tpu.memref_slice %arg4[%while3A_283, %dma_wait3A] : memref<250x80xi32, #tpu.memory_space<vmem>> -> memref<1x80xi32, #tpu.memory_space<vmem>>
        %dma_wait3A_290 = tpu.memref_squeeze %dma_wait3A_289 : memref<1x80xi32, #tpu.memory_space<vmem>> -> memref<80xi32, #tpu.memory_space<vmem>>
        %dma_wait3A_291 = arith.constant 0 : i32
        %dma_wait3A_292 = tpu.memref_slice %arg7[%dma_wait3A_291] : memref<10240xf32, #tpu.memory_space<vmem_shared>> -> memref<10240xf32, #tpu.memory_space<vmem_shared>>
        tpu.wait_indirect_dma semaphore(%run_scoped3A_284 : memref<!tpu.dma_semaphore, #tpu.memory_space<semaphore_mem>>) src(%arg5 : memref<80xf32, #tpu.memory_space<vmem>>) dst(%dma_wait3A_292 : memref<10240xf32, #tpu.memory_space<vmem_shared>>)
        tpu.yield
      }) : () -> ()
    }
    %while3A_281 = arith.constant 1 : i32
    scf.for %while3A_283 = %while3A_279 to %while3A_275 step %while3A_281  : i32 {
      "tpu.region"() ({
        %run_scoped3A_284 = tpu.sem_alloc : memref<!tpu.dma_semaphore, #tpu.memory_space<semaphore_mem>>
        %dma_start3A = arith.constant 0 : i32
        %dma_start3A_285 = tpu.memref_slice %arg4[%while3A_283, %dma_start3A] : memref<250x80xi32, #tpu.memory_space<vmem>> -> memref<1x80xi32, #tpu.memory_space<vmem>>
        %dma_start3A_286 = tpu.memref_squeeze %dma_start3A_285 : memref<1x80xi32, #tpu.memory_space<vmem>> -> memref<80xi32, #tpu.memory_space<vmem>>
        %dma_start3A_287 = arith.constant 0 : i32
        %dma_start3A_288 = tpu.memref_slice %arg7[%dma_start3A_287] : memref<10240xf32, #tpu.memory_space<vmem_shared>> -> memref<10240xf32, #tpu.memory_space<vmem_shared>>
        tpu.enqueue_indirect_dma source(%arg5 : memref<80xf32, #tpu.memory_space<vmem>>) target(%dma_start3A_288 : memref<10240xf32, #tpu.memory_space<vmem_shared>>) offsets(%dma_start3A_286 : memref<80xi32, #tpu.memory_space<vmem>>) semaphore(%run_scoped3A_284 : memref<!tpu.dma_semaphore, #tpu.memory_space<semaphore_mem>>) {add = true}
        %dma_wait3A = arith.constant 0 : i32
        %dma_wait3A_289 = tpu.memref_slice %arg4[%while3A_283, %dma_wait3A] : memref<250x80xi32, #tpu.memory_space<vmem>> -> memref<1x80xi32, #tpu.memory_space<vmem>>
        %dma_wait3A_290 = tpu.memref_squeeze %dma_wait3A_289 : memref<1x80xi32, #tpu.memory_space<vmem>> -> memref<80xi32, #tpu.memory_space<vmem>>
        %dma_wait3A_291 = arith.constant 0 : i32
        %dma_wait3A_292 = tpu.memref_slice %arg7[%dma_wait3A_291] : memref<10240xf32, #tpu.memory_space<vmem_shared>> -> memref<10240xf32, #tpu.memory_space<vmem_shared>>
        tpu.wait_indirect_dma semaphore(%run_scoped3A_284 : memref<!tpu.dma_semaphore, #tpu.memory_space<semaphore_mem>>) src(%arg5 : memref<80xf32, #tpu.memory_space<vmem>>) dst(%dma_wait3A_292 : memref<10240xf32, #tpu.memory_space<vmem_shared>>)
        tpu.yield
      }) : () -> ()
    }
    %barrier3A_282 = arith.constant 0 : index
    tpu.barrier barrier_id(%barrier3A_282)
    "tpu.region"() ({
      %run_scoped3A_283 = tpu.sem_alloc : memref<!tpu.dma_semaphore, #tpu.memory_space<semaphore_mem>>
      %dma_start3A = tpu.memref_slice %arg3[%arg0, %mul3A_268] : memref<2x10240xf32, #tpu.memory_space<hbm>> -> memref<1x640xf32, #tpu.memory_space<hbm>>
      %dma_start3A_284 = tpu.memref_squeeze %dma_start3A : memref<1x640xf32, #tpu.memory_space<hbm>> -> memref<640xf32, #tpu.memory_space<hbm>>
      %dma_start3A_285 = tpu.memref_slice %arg7[%mul3A_268] : memref<10240xf32, #tpu.memory_space<vmem_shared>> -> memref<640xf32, #tpu.memory_space<vmem_shared>>
      tpu.enqueue_dma source(%dma_start3A_285 : memref<640xf32, #tpu.memory_space<vmem_shared>>) target(%dma_start3A_284 : memref<640xf32, #tpu.memory_space<hbm>>) target_semaphore(%run_scoped3A_283 : memref<!tpu.dma_semaphore, #tpu.memory_space<semaphore_mem>>)
      %dma_wait3A = tpu.memref_slice %arg3[%arg0, %mul3A_268] : memref<2x10240xf32, #tpu.memory_space<hbm>> -> memref<1x640xf32, #tpu.memory_space<hbm>>
      %dma_wait3A_286 = tpu.memref_squeeze %dma_wait3A : memref<1x640xf32, #tpu.memory_space<hbm>> -> memref<640xf32, #tpu.memory_space<hbm>>
      %dma_wait3A_287 = tpu.memref_slice %arg7[%mul3A_268] : memref<10240xf32, #tpu.memory_space<vmem_shared>> -> memref<640xf32, #tpu.memory_space<vmem_shared>>
      tpu.wait_dma2 semaphore(%run_scoped3A_283 : memref<!tpu.dma_semaphore, #tpu.memory_space<semaphore_mem>>) src(%dma_wait3A_287 : memref<640xf32, #tpu.memory_space<vmem_shared>>) dst(%dma_wait3A_286 : memref<640xf32, #tpu.memory_space<hbm>>)
      tpu.yield
    }) : () -> ()
    return
  }
}

#map = affine_map<(d0, d1) -> (0, 0)>
#map1 = affine_map<(d0, d1) -> (0, 0, 0, 0)>
module attributes {stable_mosaic.version = 14 : i64} {
  func.func @_sc_spmm(%arg0: i32, %arg1: i32, %arg2: memref<10000x128xf32, #tpu.memory_space<hbm>>, %arg3: memref<2x16x250x80xi32, #tpu.memory_space<hbm>>, %arg4: memref<10000x128xf32, #tpu.memory_space<hbm>>, %arg5: memref<250x80xi32, #tpu.memory_space<vmem>>, %arg6: memref<250x80xi32, #tpu.memory_space<vmem>>, %arg7: memref<80x64xf32, #tpu.memory_space<vmem>>, %arg8: memref<80x64xf32, #tpu.memory_space<vmem>>, %arg9: memref<10000x64xf32, #tpu.memory_space<vmem_shared>>, %arg10: memref<10000x64xf32, #tpu.memory_space<vmem_shared>>, %arg11: memref<!tpu.dma_semaphore, #tpu.memory_space<semaphore_mem>>, %arg12: memref<!tpu.dma_semaphore, #tpu.memory_space<semaphore_mem>>, %arg13: memref<!tpu.dma_semaphore, #tpu.memory_space<semaphore_mem>>, %arg14: memref<!tpu.dma_semaphore, #tpu.memory_space<semaphore_mem>>) attributes {dimension_semantics = [#tpu.dimension_semantics<core_parallel>, #tpu.dimension_semantics<subcore_parallel>], iteration_bounds = array<i64: 2, 16>, scalar_prefetch = 0 : i64, scratch_operands = 10 : i64, tpu.core_type = #tpu.core_type<sc_vector_subcore>, window_params = [{transform_indices = #map}, {transform_indices = #map1}, {transform_indices = #map}]} {
    %mul3A = arith.constant 625 : i32
    %mul3A_0 = arith.muli %arg1, %mul3A : i32
    %mul3A_1 = arith.constant 64 : i32
    %mul3A_2 = arith.muli %arg0, %mul3A_1 : i32
    "tpu.region"() ({
      %run_scoped3A_43 = tpu.sem_alloc : memref<!tpu.dma_semaphore, #tpu.memory_space<semaphore_mem>>
      %dma_start3A_44 = arith.constant 0 : i32
      %dma_start3A_45 = tpu.memref_slice %arg9[%mul3A_0, %dma_start3A_44] : memref<10000x64xf32, #tpu.memory_space<vmem_shared>> -> memref<625x64xf32, #tpu.memory_space<vmem_shared>>
      %dma_start3A_46 = tpu.memref_slice %arg2[%mul3A_0, %mul3A_2] : memref<10000x128xf32, #tpu.memory_space<hbm>> -> memref<625x64xf32, #tpu.memory_space<hbm>>
      tpu.enqueue_dma source(%dma_start3A_46 : memref<625x64xf32, #tpu.memory_space<hbm>>) target(%dma_start3A_45 : memref<625x64xf32, #tpu.memory_space<vmem_shared>>) target_semaphore(%run_scoped3A_43 : memref<!tpu.dma_semaphore, #tpu.memory_space<semaphore_mem>>)
      %dma_wait3A_47 = arith.constant 0 : i32
      %dma_wait3A_48 = tpu.memref_slice %arg9[%mul3A_0, %dma_wait3A_47] : memref<10000x64xf32, #tpu.memory_space<vmem_shared>> -> memref<625x64xf32, #tpu.memory_space<vmem_shared>>
      %dma_wait3A_49 = tpu.memref_slice %arg2[%mul3A_0, %mul3A_2] : memref<10000x128xf32, #tpu.memory_space<hbm>> -> memref<625x64xf32, #tpu.memory_space<hbm>>
      tpu.wait_dma2 semaphore(%run_scoped3A_43 : memref<!tpu.dma_semaphore, #tpu.memory_space<semaphore_mem>>) src(%dma_wait3A_49 : memref<625x64xf32, #tpu.memory_space<hbm>>) dst(%dma_wait3A_48 : memref<625x64xf32, #tpu.memory_space<vmem_shared>>)
      tpu.yield
    }) : () -> ()
    "tpu.region"() ({
      %run_scoped3A_43 = tpu.sem_alloc : memref<!tpu.dma_semaphore, #tpu.memory_space<semaphore_mem>>
      %dma_start3A_44 = arith.constant 0 : i32
      %dma_start3A_45 = tpu.memref_slice %arg10[%mul3A_0, %dma_start3A_44] : memref<10000x64xf32, #tpu.memory_space<vmem_shared>> -> memref<625x64xf32, #tpu.memory_space<vmem_shared>>
      %dma_start3A_46 = tpu.memref_slice %arg2[%mul3A_0, %mul3A_2] : memref<10000x128xf32, #tpu.memory_space<hbm>> -> memref<625x64xf32, #tpu.memory_space<hbm>>
      tpu.enqueue_dma source(%dma_start3A_46 : memref<625x64xf32, #tpu.memory_space<hbm>>) target(%dma_start3A_45 : memref<625x64xf32, #tpu.memory_space<vmem_shared>>) target_semaphore(%run_scoped3A_43 : memref<!tpu.dma_semaphore, #tpu.memory_space<semaphore_mem>>)
      %dma_wait3A_47 = arith.constant 0 : i32
      %dma_wait3A_48 = tpu.memref_slice %arg10[%mul3A_0, %dma_wait3A_47] : memref<10000x64xf32, #tpu.memory_space<vmem_shared>> -> memref<625x64xf32, #tpu.memory_space<vmem_shared>>
      %dma_wait3A_49 = tpu.memref_slice %arg2[%mul3A_0, %mul3A_2] : memref<10000x128xf32, #tpu.memory_space<hbm>> -> memref<625x64xf32, #tpu.memory_space<hbm>>
      tpu.wait_dma2 semaphore(%run_scoped3A_43 : memref<!tpu.dma_semaphore, #tpu.memory_space<semaphore_mem>>) src(%dma_wait3A_49 : memref<625x64xf32, #tpu.memory_space<hbm>>) dst(%dma_wait3A_48 : memref<625x64xf32, #tpu.memory_space<vmem_shared>>)
      tpu.yield
    }) : () -> ()
    %run_scoped3A = arith.constant 0 : i32
    "tpu.region"() ({
      %run_scoped3A_43 = tpu.sem_alloc : memref<!tpu.dma_semaphore, #tpu.memory_space<semaphore_mem>>
      %dma_start3A_44 = arith.constant 0 : i32
      %dma_start3A_45 = arith.constant 0 : i32
      %dma_start3A_46 = tpu.memref_slice %arg3[%run_scoped3A, %arg1, %dma_start3A_44, %dma_start3A_45] : memref<2x16x250x80xi32, #tpu.memory_space<hbm>> -> memref<1x1x250x80xi32, #tpu.memory_space<hbm>>
      %dma_start3A_47 = tpu.memref_squeeze %dma_start3A_46 : memref<1x1x250x80xi32, #tpu.memory_space<hbm>> -> memref<250x80xi32, #tpu.memory_space<hbm>>
      %dma_start3A_48 = arith.constant 0 : i32
      %dma_start3A_49 = arith.constant 0 : i32
      %dma_start3A_50 = tpu.memref_slice %arg3[%run_scoped3A, %arg1, %dma_start3A_48, %dma_start3A_49] : memref<2x16x250x80xi32, #tpu.memory_space<hbm>> -> memref<1x1x250x80xi32, #tpu.memory_space<hbm>>
      %dma_start3A_51 = tpu.memref_squeeze %dma_start3A_50 : memref<1x1x250x80xi32, #tpu.memory_space<hbm>> -> memref<250x80xi32, #tpu.memory_space<hbm>>
      tpu.enqueue_dma source(%dma_start3A_51 : memref<250x80xi32, #tpu.memory_space<hbm>>) target(%arg5 : memref<250x80xi32, #tpu.memory_space<vmem>>) target_semaphore(%run_scoped3A_43 : memref<!tpu.dma_semaphore, #tpu.memory_space<semaphore_mem>>)
      %dma_wait3A_52 = arith.constant 0 : i32
      %dma_wait3A_53 = arith.constant 0 : i32
      %dma_wait3A_54 = tpu.memref_slice %arg3[%run_scoped3A, %arg1, %dma_wait3A_52, %dma_wait3A_53] : memref<2x16x250x80xi32, #tpu.memory_space<hbm>> -> memref<1x1x250x80xi32, #tpu.memory_space<hbm>>
      %dma_wait3A_55 = tpu.memref_squeeze %dma_wait3A_54 : memref<1x1x250x80xi32, #tpu.memory_space<hbm>> -> memref<250x80xi32, #tpu.memory_space<hbm>>
      %dma_wait3A_56 = arith.constant 0 : i32
      %dma_wait3A_57 = arith.constant 0 : i32
      %dma_wait3A_58 = tpu.memref_slice %arg3[%run_scoped3A, %arg1, %dma_wait3A_56, %dma_wait3A_57] : memref<2x16x250x80xi32, #tpu.memory_space<hbm>> -> memref<1x1x250x80xi32, #tpu.memory_space<hbm>>
      %dma_wait3A_59 = tpu.memref_squeeze %dma_wait3A_58 : memref<1x1x250x80xi32, #tpu.memory_space<hbm>> -> memref<250x80xi32, #tpu.memory_space<hbm>>
      tpu.wait_dma2 semaphore(%run_scoped3A_43 : memref<!tpu.dma_semaphore, #tpu.memory_space<semaphore_mem>>) src(%dma_wait3A_59 : memref<250x80xi32, #tpu.memory_space<hbm>>) dst(%arg5 : memref<250x80xi32, #tpu.memory_space<vmem>>)
      tpu.yield
    }) : () -> ()
    %run_scoped3A_3 = arith.constant 1 : i32
    "tpu.region"() ({
      %run_scoped3A_43 = tpu.sem_alloc : memref<!tpu.dma_semaphore, #tpu.memory_space<semaphore_mem>>
      %dma_start3A_44 = arith.constant 0 : i32
      %dma_start3A_45 = arith.constant 0 : i32
      %dma_start3A_46 = tpu.memref_slice %arg3[%run_scoped3A_3, %arg1, %dma_start3A_44, %dma_start3A_45] : memref<2x16x250x80xi32, #tpu.memory_space<hbm>> -> memref<1x1x250x80xi32, #tpu.memory_space<hbm>>
      %dma_start3A_47 = tpu.memref_squeeze %dma_start3A_46 : memref<1x1x250x80xi32, #tpu.memory_space<hbm>> -> memref<250x80xi32, #tpu.memory_space<hbm>>
      %dma_start3A_48 = arith.constant 0 : i32
      %dma_start3A_49 = arith.constant 0 : i32
      %dma_start3A_50 = tpu.memref_slice %arg3[%run_scoped3A_3, %arg1, %dma_start3A_48, %dma_start3A_49] : memref<2x16x250x80xi32, #tpu.memory_space<hbm>> -> memref<1x1x250x80xi32, #tpu.memory_space<hbm>>
      %dma_start3A_51 = tpu.memref_squeeze %dma_start3A_50 : memref<1x1x250x80xi32, #tpu.memory_space<hbm>> -> memref<250x80xi32, #tpu.memory_space<hbm>>
      tpu.enqueue_dma source(%dma_start3A_51 : memref<250x80xi32, #tpu.memory_space<hbm>>) target(%arg6 : memref<250x80xi32, #tpu.memory_space<vmem>>) target_semaphore(%run_scoped3A_43 : memref<!tpu.dma_semaphore, #tpu.memory_space<semaphore_mem>>)
      %dma_wait3A_52 = arith.constant 0 : i32
      %dma_wait3A_53 = arith.constant 0 : i32
      %dma_wait3A_54 = tpu.memref_slice %arg3[%run_scoped3A_3, %arg1, %dma_wait3A_52, %dma_wait3A_53] : memref<2x16x250x80xi32, #tpu.memory_space<hbm>> -> memref<1x1x250x80xi32, #tpu.memory_space<hbm>>
      %dma_wait3A_55 = tpu.memref_squeeze %dma_wait3A_54 : memref<1x1x250x80xi32, #tpu.memory_space<hbm>> -> memref<250x80xi32, #tpu.memory_space<hbm>>
      %dma_wait3A_56 = arith.constant 0 : i32
      %dma_wait3A_57 = arith.constant 0 : i32
      %dma_wait3A_58 = tpu.memref_slice %arg3[%run_scoped3A_3, %arg1, %dma_wait3A_56, %dma_wait3A_57] : memref<2x16x250x80xi32, #tpu.memory_space<hbm>> -> memref<1x1x250x80xi32, #tpu.memory_space<hbm>>
      %dma_wait3A_59 = tpu.memref_squeeze %dma_wait3A_58 : memref<1x1x250x80xi32, #tpu.memory_space<hbm>> -> memref<250x80xi32, #tpu.memory_space<hbm>>
      tpu.wait_dma2 semaphore(%run_scoped3A_43 : memref<!tpu.dma_semaphore, #tpu.memory_space<semaphore_mem>>) src(%dma_wait3A_59 : memref<250x80xi32, #tpu.memory_space<hbm>>) dst(%arg6 : memref<250x80xi32, #tpu.memory_space<vmem>>)
      tpu.yield
    }) : () -> ()
    %barrier3A = arith.constant 0 : index
    tpu.barrier barrier_id(%barrier3A)
    %rem3A = arith.constant 0 : i32
    %rem3A_4 = arith.constant 250 : i32
    %rem3A_5 = arith.remsi %rem3A, %rem3A_4 : i32
    %dma_start3A = arith.constant 0 : i32
    %dma_start3A_6 = tpu.memref_slice %arg5[%rem3A_5, %dma_start3A] : memref<250x80xi32, #tpu.memory_space<vmem>> -> memref<1x80xi32, #tpu.memory_space<vmem>>
    %dma_start3A_7 = tpu.memref_squeeze %dma_start3A_6 : memref<1x80xi32, #tpu.memory_space<vmem>> -> memref<80xi32, #tpu.memory_space<vmem>>
    %dma_start3A_8 = arith.constant 0 : i32
    %dma_start3A_9 = arith.constant 0 : i32
    %dma_start3A_10 = tpu.memref_slice %arg10[%dma_start3A_8, %dma_start3A_9] : memref<10000x64xf32, #tpu.memory_space<vmem_shared>> -> memref<10000x64xf32, #tpu.memory_space<vmem_shared>>
    tpu.enqueue_indirect_dma source(%dma_start3A_10 : memref<10000x64xf32, #tpu.memory_space<vmem_shared>>) target(%arg7 : memref<80x64xf32, #tpu.memory_space<vmem>>) offsets(%dma_start3A_7 : memref<80xi32, #tpu.memory_space<vmem>>) semaphore(%arg11 : memref<!tpu.dma_semaphore, #tpu.memory_space<semaphore_mem>>)
    %rem3A_11 = arith.constant 1 : i32
    %rem3A_12 = arith.constant 250 : i32
    %rem3A_13 = arith.remsi %rem3A_11, %rem3A_12 : i32
    %dma_start3A_14 = arith.constant 0 : i32
    %dma_start3A_15 = tpu.memref_slice %arg5[%rem3A_13, %dma_start3A_14] : memref<250x80xi32, #tpu.memory_space<vmem>> -> memref<1x80xi32, #tpu.memory_space<vmem>>
    %dma_start3A_16 = tpu.memref_squeeze %dma_start3A_15 : memref<1x80xi32, #tpu.memory_space<vmem>> -> memref<80xi32, #tpu.memory_space<vmem>>
    %dma_start3A_17 = arith.constant 0 : i32
    %dma_start3A_18 = arith.constant 0 : i32
    %dma_start3A_19 = tpu.memref_slice %arg10[%dma_start3A_17, %dma_start3A_18] : memref<10000x64xf32, #tpu.memory_space<vmem_shared>> -> memref<10000x64xf32, #tpu.memory_space<vmem_shared>>
    tpu.enqueue_indirect_dma source(%dma_start3A_19 : memref<10000x64xf32, #tpu.memory_space<vmem_shared>>) target(%arg8 : memref<80x64xf32, #tpu.memory_space<vmem>>) offsets(%dma_start3A_16 : memref<80xi32, #tpu.memory_space<vmem>>) semaphore(%arg12 : memref<!tpu.dma_semaphore, #tpu.memory_space<semaphore_mem>>)
    %scan3A = arith.constant 0 : i32
    %scan3A_20 = arith.constant 0 : i32
    %scan3A_21 = arith.constant 125 : i32
    %scan3A_22 = arith.addi %scan3A_20, %scan3A_21 : i32
    %scan3A_23 = arith.constant 1 : i32
    scf.for %scan3A_43 = %scan3A_20 to %scan3A_22 step %scan3A_23  : i32 {
      %mul3A_44 = arith.constant 2 : i32
      %mul3A_45 = arith.muli %scan3A_43, %mul3A_44 : i32
      %add3A = arith.constant 0 : i32
      %add3A_46 = arith.addi %mul3A_45, %add3A : i32
      %rem3A_47 = arith.constant 250 : i32
      %rem3A_48 = arith.remsi %add3A_46, %rem3A_47 : i32
      %dma_wait3A_49 = arith.constant 0 : i32
      %dma_wait3A_50 = tpu.memref_slice %arg5[%rem3A_48, %dma_wait3A_49] : memref<250x80xi32, #tpu.memory_space<vmem>> -> memref<1x80xi32, #tpu.memory_space<vmem>>
      %dma_wait3A_51 = tpu.memref_squeeze %dma_wait3A_50 : memref<1x80xi32, #tpu.memory_space<vmem>> -> memref<80xi32, #tpu.memory_space<vmem>>
      %dma_wait3A_52 = arith.constant 0 : i32
      %dma_wait3A_53 = arith.constant 0 : i32
      %dma_wait3A_54 = tpu.memref_slice %arg10[%dma_wait3A_52, %dma_wait3A_53] : memref<10000x64xf32, #tpu.memory_space<vmem_shared>> -> memref<10000x64xf32, #tpu.memory_space<vmem_shared>>
      tpu.wait_indirect_dma semaphore(%arg11 : memref<!tpu.dma_semaphore, #tpu.memory_space<semaphore_mem>>) src(%dma_wait3A_54 : memref<10000x64xf32, #tpu.memory_space<vmem_shared>>) dst(%arg7 : memref<80x64xf32, #tpu.memory_space<vmem>>)
      %add3A_55 = arith.constant 0 : i32
      %add3A_56 = arith.addi %mul3A_45, %add3A_55 : i32
      %dma_start3A_57 = arith.constant 0 : i32
      %dma_start3A_58 = tpu.memref_slice %arg6[%add3A_56, %dma_start3A_57] : memref<250x80xi32, #tpu.memory_space<vmem>> -> memref<1x80xi32, #tpu.memory_space<vmem>>
      %dma_start3A_59 = tpu.memref_squeeze %dma_start3A_58 : memref<1x80xi32, #tpu.memory_space<vmem>> -> memref<80xi32, #tpu.memory_space<vmem>>
      %dma_start3A_60 = arith.constant 0 : i32
      %dma_start3A_61 = arith.constant 0 : i32
      %dma_start3A_62 = tpu.memref_slice %arg9[%dma_start3A_60, %dma_start3A_61] : memref<10000x64xf32, #tpu.memory_space<vmem_shared>> -> memref<10000x64xf32, #tpu.memory_space<vmem_shared>>
      tpu.enqueue_indirect_dma source(%arg7 : memref<80x64xf32, #tpu.memory_space<vmem>>) target(%dma_start3A_62 : memref<10000x64xf32, #tpu.memory_space<vmem_shared>>) offsets(%dma_start3A_59 : memref<80xi32, #tpu.memory_space<vmem>>) semaphore(%arg13 : memref<!tpu.dma_semaphore, #tpu.memory_space<semaphore_mem>>) {add = true}
      %add3A_63 = arith.constant 1 : i32
      %add3A_64 = arith.addi %mul3A_45, %add3A_63 : i32
      %rem3A_65 = arith.constant 250 : i32
      %rem3A_66 = arith.remsi %add3A_64, %rem3A_65 : i32
      %dma_wait3A_67 = arith.constant 0 : i32
      %dma_wait3A_68 = tpu.memref_slice %arg5[%rem3A_66, %dma_wait3A_67] : memref<250x80xi32, #tpu.memory_space<vmem>> -> memref<1x80xi32, #tpu.memory_space<vmem>>
      %dma_wait3A_69 = tpu.memref_squeeze %dma_wait3A_68 : memref<1x80xi32, #tpu.memory_space<vmem>> -> memref<80xi32, #tpu.memory_space<vmem>>
      %dma_wait3A_70 = arith.constant 0 : i32
      %dma_wait3A_71 = arith.constant 0 : i32
      %dma_wait3A_72 = tpu.memref_slice %arg10[%dma_wait3A_70, %dma_wait3A_71] : memref<10000x64xf32, #tpu.memory_space<vmem_shared>> -> memref<10000x64xf32, #tpu.memory_space<vmem_shared>>
      tpu.wait_indirect_dma semaphore(%arg12 : memref<!tpu.dma_semaphore, #tpu.memory_space<semaphore_mem>>) src(%dma_wait3A_72 : memref<10000x64xf32, #tpu.memory_space<vmem_shared>>) dst(%arg8 : memref<80x64xf32, #tpu.memory_space<vmem>>)
      %add3A_73 = arith.constant 1 : i32
      %add3A_74 = arith.addi %mul3A_45, %add3A_73 : i32
      %dma_start3A_75 = arith.constant 0 : i32
      %dma_start3A_76 = tpu.memref_slice %arg6[%add3A_74, %dma_start3A_75] : memref<250x80xi32, #tpu.memory_space<vmem>> -> memref<1x80xi32, #tpu.memory_space<vmem>>
      %dma_start3A_77 = tpu.memref_squeeze %dma_start3A_76 : memref<1x80xi32, #tpu.memory_space<vmem>> -> memref<80xi32, #tpu.memory_space<vmem>>
      %dma_start3A_78 = arith.constant 0 : i32
      %dma_start3A_79 = arith.constant 0 : i32
      %dma_start3A_80 = tpu.memref_slice %arg9[%dma_start3A_78, %dma_start3A_79] : memref<10000x64xf32, #tpu.memory_space<vmem_shared>> -> memref<10000x64xf32, #tpu.memory_space<vmem_shared>>
      tpu.enqueue_indirect_dma source(%arg8 : memref<80x64xf32, #tpu.memory_space<vmem>>) target(%dma_start3A_80 : memref<10000x64xf32, #tpu.memory_space<vmem_shared>>) offsets(%dma_start3A_77 : memref<80xi32, #tpu.memory_space<vmem>>) semaphore(%arg14 : memref<!tpu.dma_semaphore, #tpu.memory_space<semaphore_mem>>) {add = true}
      %add3A_81 = arith.constant 0 : i32
      %add3A_82 = arith.addi %mul3A_45, %add3A_81 : i32
      %dma_wait3A_83 = arith.constant 0 : i32
      %dma_wait3A_84 = tpu.memref_slice %arg6[%add3A_82, %dma_wait3A_83] : memref<250x80xi32, #tpu.memory_space<vmem>> -> memref<1x80xi32, #tpu.memory_space<vmem>>
      %dma_wait3A_85 = tpu.memref_squeeze %dma_wait3A_84 : memref<1x80xi32, #tpu.memory_space<vmem>> -> memref<80xi32, #tpu.memory_space<vmem>>
      %dma_wait3A_86 = arith.constant 0 : i32
      %dma_wait3A_87 = arith.constant 0 : i32
      %dma_wait3A_88 = tpu.memref_slice %arg9[%dma_wait3A_86, %dma_wait3A_87] : memref<10000x64xf32, #tpu.memory_space<vmem_shared>> -> memref<10000x64xf32, #tpu.memory_space<vmem_shared>>
      tpu.wait_indirect_dma semaphore(%arg13 : memref<!tpu.dma_semaphore, #tpu.memory_space<semaphore_mem>>) src(%arg7 : memref<80x64xf32, #tpu.memory_space<vmem>>) dst(%dma_wait3A_88 : memref<10000x64xf32, #tpu.memory_space<vmem_shared>>)
      %add3A_89 = arith.constant 2 : i32
      %add3A_90 = arith.addi %mul3A_45, %add3A_89 : i32
      %add3A_91 = arith.constant 0 : i32
      %add3A_92 = arith.addi %add3A_90, %add3A_91 : i32
      %rem3A_93 = arith.constant 250 : i32
      %rem3A_94 = arith.remsi %add3A_92, %rem3A_93 : i32
      %dma_start3A_95 = arith.constant 0 : i32
      %dma_start3A_96 = tpu.memref_slice %arg5[%rem3A_94, %dma_start3A_95] : memref<250x80xi32, #tpu.memory_space<vmem>> -> memref<1x80xi32, #tpu.memory_space<vmem>>
      %dma_start3A_97 = tpu.memref_squeeze %dma_start3A_96 : memref<1x80xi32, #tpu.memory_space<vmem>> -> memref<80xi32, #tpu.memory_space<vmem>>
      %dma_start3A_98 = arith.constant 0 : i32
      %dma_start3A_99 = arith.constant 0 : i32
      %dma_start3A_100 = tpu.memref_slice %arg10[%dma_start3A_98, %dma_start3A_99] : memref<10000x64xf32, #tpu.memory_space<vmem_shared>> -> memref<10000x64xf32, #tpu.memory_space<vmem_shared>>
      tpu.enqueue_indirect_dma source(%dma_start3A_100 : memref<10000x64xf32, #tpu.memory_space<vmem_shared>>) target(%arg7 : memref<80x64xf32, #tpu.memory_space<vmem>>) offsets(%dma_start3A_97 : memref<80xi32, #tpu.memory_space<vmem>>) semaphore(%arg11 : memref<!tpu.dma_semaphore, #tpu.memory_space<semaphore_mem>>)
      %add3A_101 = arith.constant 1 : i32
      %add3A_102 = arith.addi %mul3A_45, %add3A_101 : i32
      %dma_wait3A_103 = arith.constant 0 : i32
      %dma_wait3A_104 = tpu.memref_slice %arg6[%add3A_102, %dma_wait3A_103] : memref<250x80xi32, #tpu.memory_space<vmem>> -> memref<1x80xi32, #tpu.memory_space<vmem>>
      %dma_wait3A_105 = tpu.memref_squeeze %dma_wait3A_104 : memref<1x80xi32, #tpu.memory_space<vmem>> -> memref<80xi32, #tpu.memory_space<vmem>>
      %dma_wait3A_106 = arith.constant 0 : i32
      %dma_wait3A_107 = arith.constant 0 : i32
      %dma_wait3A_108 = tpu.memref_slice %arg9[%dma_wait3A_106, %dma_wait3A_107] : memref<10000x64xf32, #tpu.memory_space<vmem_shared>> -> memref<10000x64xf32, #tpu.memory_space<vmem_shared>>
      tpu.wait_indirect_dma semaphore(%arg14 : memref<!tpu.dma_semaphore, #tpu.memory_space<semaphore_mem>>) src(%arg8 : memref<80x64xf32, #tpu.memory_space<vmem>>) dst(%dma_wait3A_108 : memref<10000x64xf32, #tpu.memory_space<vmem_shared>>)
      %add3A_109 = arith.constant 2 : i32
      %add3A_110 = arith.addi %mul3A_45, %add3A_109 : i32
      %add3A_111 = arith.constant 1 : i32
      %add3A_112 = arith.addi %add3A_110, %add3A_111 : i32
      %rem3A_113 = arith.constant 250 : i32
      %rem3A_114 = arith.remsi %add3A_112, %rem3A_113 : i32
      %dma_start3A_115 = arith.constant 0 : i32
      %dma_start3A_116 = tpu.memref_slice %arg5[%rem3A_114, %dma_start3A_115] : memref<250x80xi32, #tpu.memory_space<vmem>> -> memref<1x80xi32, #tpu.memory_space<vmem>>
      %dma_start3A_117 = tpu.memref_squeeze %dma_start3A_116 : memref<1x80xi32, #tpu.memory_space<vmem>> -> memref<80xi32, #tpu.memory_space<vmem>>
      %dma_start3A_118 = arith.constant 0 : i32
      %dma_start3A_119 = arith.constant 0 : i32
      %dma_start3A_120 = tpu.memref_slice %arg10[%dma_start3A_118, %dma_start3A_119] : memref<10000x64xf32, #tpu.memory_space<vmem_shared>> -> memref<10000x64xf32, #tpu.memory_space<vmem_shared>>
      tpu.enqueue_indirect_dma source(%dma_start3A_120 : memref<10000x64xf32, #tpu.memory_space<vmem_shared>>) target(%arg8 : memref<80x64xf32, #tpu.memory_space<vmem>>) offsets(%dma_start3A_117 : memref<80xi32, #tpu.memory_space<vmem>>) semaphore(%arg12 : memref<!tpu.dma_semaphore, #tpu.memory_space<semaphore_mem>>)
    }
    %scan3A_24 = arith.constant 125 : i32
    %rem3A_25 = arith.constant 250 : i32
    %rem3A_26 = arith.constant 250 : i32
    %rem3A_27 = arith.remsi %rem3A_25, %rem3A_26 : i32
    %dma_wait3A = arith.constant 0 : i32
    %dma_wait3A_28 = tpu.memref_slice %arg5[%rem3A_27, %dma_wait3A] : memref<250x80xi32, #tpu.memory_space<vmem>> -> memref<1x80xi32, #tpu.memory_space<vmem>>
    %dma_wait3A_29 = tpu.memref_squeeze %dma_wait3A_28 : memref<1x80xi32, #tpu.memory_space<vmem>> -> memref<80xi32, #tpu.memory_space<vmem>>
    %dma_wait3A_30 = arith.constant 0 : i32
    %dma_wait3A_31 = arith.constant 0 : i32
    %dma_wait3A_32 = tpu.memref_slice %arg10[%dma_wait3A_30, %dma_wait3A_31] : memref<10000x64xf32, #tpu.memory_space<vmem_shared>> -> memref<10000x64xf32, #tpu.memory_space<vmem_shared>>
    tpu.wait_indirect_dma semaphore(%arg11 : memref<!tpu.dma_semaphore, #tpu.memory_space<semaphore_mem>>) src(%dma_wait3A_32 : memref<10000x64xf32, #tpu.memory_space<vmem_shared>>) dst(%arg7 : memref<80x64xf32, #tpu.memory_space<vmem>>)
    %rem3A_33 = arith.constant 251 : i32
    %rem3A_34 = arith.constant 250 : i32
    %rem3A_35 = arith.remsi %rem3A_33, %rem3A_34 : i32
    %dma_wait3A_36 = arith.constant 0 : i32
    %dma_wait3A_37 = tpu.memref_slice %arg5[%rem3A_35, %dma_wait3A_36] : memref<250x80xi32, #tpu.memory_space<vmem>> -> memref<1x80xi32, #tpu.memory_space<vmem>>
    %dma_wait3A_38 = tpu.memref_squeeze %dma_wait3A_37 : memref<1x80xi32, #tpu.memory_space<vmem>> -> memref<80xi32, #tpu.memory_space<vmem>>
    %dma_wait3A_39 = arith.constant 0 : i32
    %dma_wait3A_40 = arith.constant 0 : i32
    %dma_wait3A_41 = tpu.memref_slice %arg10[%dma_wait3A_39, %dma_wait3A_40] : memref<10000x64xf32, #tpu.memory_space<vmem_shared>> -> memref<10000x64xf32, #tpu.memory_space<vmem_shared>>
    tpu.wait_indirect_dma semaphore(%arg12 : memref<!tpu.dma_semaphore, #tpu.memory_space<semaphore_mem>>) src(%dma_wait3A_41 : memref<10000x64xf32, #tpu.memory_space<vmem_shared>>) dst(%arg8 : memref<80x64xf32, #tpu.memory_space<vmem>>)
    %barrier3A_42 = arith.constant 0 : index
    tpu.barrier barrier_id(%barrier3A_42)
    "tpu.region"() ({
      %run_scoped3A_43 = tpu.sem_alloc : memref<!tpu.dma_semaphore, #tpu.memory_space<semaphore_mem>>
      %dma_start3A_44 = tpu.memref_slice %arg4[%mul3A_0, %mul3A_2] : memref<10000x128xf32, #tpu.memory_space<hbm>> -> memref<625x64xf32, #tpu.memory_space<hbm>>
      %dma_start3A_45 = arith.constant 0 : i32
      %dma_start3A_46 = tpu.memref_slice %arg9[%mul3A_0, %dma_start3A_45] : memref<10000x64xf32, #tpu.memory_space<vmem_shared>> -> memref<625x64xf32, #tpu.memory_space<vmem_shared>>
      tpu.enqueue_dma source(%dma_start3A_46 : memref<625x64xf32, #tpu.memory_space<vmem_shared>>) target(%dma_start3A_44 : memref<625x64xf32, #tpu.memory_space<hbm>>) target_semaphore(%run_scoped3A_43 : memref<!tpu.dma_semaphore, #tpu.memory_space<semaphore_mem>>)
      %dma_wait3A_47 = tpu.memref_slice %arg4[%mul3A_0, %mul3A_2] : memref<10000x128xf32, #tpu.memory_space<hbm>> -> memref<625x64xf32, #tpu.memory_space<hbm>>
      %dma_wait3A_48 = arith.constant 0 : i32
      %dma_wait3A_49 = tpu.memref_slice %arg9[%mul3A_0, %dma_wait3A_48] : memref<10000x64xf32, #tpu.memory_space<vmem_shared>> -> memref<625x64xf32, #tpu.memory_space<vmem_shared>>
      tpu.wait_dma2 semaphore(%run_scoped3A_43 : memref<!tpu.dma_semaphore, #tpu.memory_space<semaphore_mem>>) src(%dma_wait3A_49 : memref<625x64xf32, #tpu.memory_space<vmem_shared>>) dst(%dma_wait3A_47 : memref<625x64xf32, #tpu.memory_space<hbm>>)
      tpu.yield
    }) : () -> ()
    return
  }
}

#map = affine_map<(d0, d1) -> (0, 0)>
#map1 = affine_map<(d0, d1) -> (0, 0, 0, 0)>
module attributes {stable_mosaic.version = 14 : i64} {
  func.func @_sc_spmm(%arg0: i32, %arg1: i32, %arg2: memref<10000x128xf32, #tpu.memory_space<hbm>>, %arg3: memref<2x16x250x80xi32, #tpu.memory_space<hbm>>, %arg4: memref<10000x128xf32, #tpu.memory_space<hbm>>, %arg5: memref<250x80xi32, #tpu.memory_space<vmem>>, %arg6: memref<250x80xi32, #tpu.memory_space<vmem>>, %arg7: memref<80x64xf32, #tpu.memory_space<vmem>>, %arg8: memref<80x64xf32, #tpu.memory_space<vmem>>, %arg9: memref<10000x64xf32, #tpu.memory_space<vmem_shared>>, %arg10: memref<10000x64xf32, #tpu.memory_space<vmem_shared>>, %arg11: memref<!tpu.dma_semaphore, #tpu.memory_space<semaphore_mem>>, %arg12: memref<!tpu.dma_semaphore, #tpu.memory_space<semaphore_mem>>, %arg13: memref<!tpu.dma_semaphore, #tpu.memory_space<semaphore_mem>>, %arg14: memref<!tpu.dma_semaphore, #tpu.memory_space<semaphore_mem>>) attributes {dimension_semantics = [#tpu.dimension_semantics<core_parallel>, #tpu.dimension_semantics<subcore_parallel>], iteration_bounds = array<i64: 2, 16>, scalar_prefetch = 0 : i64, scratch_operands = 10 : i64, tpu.core_type = #tpu.core_type<sc_vector_subcore>, window_params = [{transform_indices = #map}, {transform_indices = #map1}, {transform_indices = #map}]} {
    %mul3A = arith.constant 625 : i32
    %mul3A_0 = arith.muli %arg1, %mul3A : i32
    %mul3A_1 = arith.constant 64 : i32
    %mul3A_2 = arith.muli %arg0, %mul3A_1 : i32
    "tpu.region"() ({
      %run_scoped3A_43 = tpu.sem_alloc : memref<!tpu.dma_semaphore, #tpu.memory_space<semaphore_mem>>
      %dma_start3A_44 = arith.constant 0 : i32
      %dma_start3A_45 = tpu.memref_slice %arg9[%mul3A_0, %dma_start3A_44] : memref<10000x64xf32, #tpu.memory_space<vmem_shared>> -> memref<625x64xf32, #tpu.memory_space<vmem_shared>>
      %dma_start3A_46 = tpu.memref_slice %arg2[%mul3A_0, %mul3A_2] : memref<10000x128xf32, #tpu.memory_space<hbm>> -> memref<625x64xf32, #tpu.memory_space<hbm>>
      tpu.enqueue_dma source(%dma_start3A_46 : memref<625x64xf32, #tpu.memory_space<hbm>>) target(%dma_start3A_45 : memref<625x64xf32, #tpu.memory_space<vmem_shared>>) target_semaphore(%run_scoped3A_43 : memref<!tpu.dma_semaphore, #tpu.memory_space<semaphore_mem>>)
      %dma_wait3A_47 = arith.constant 0 : i32
      %dma_wait3A_48 = tpu.memref_slice %arg9[%mul3A_0, %dma_wait3A_47] : memref<10000x64xf32, #tpu.memory_space<vmem_shared>> -> memref<625x64xf32, #tpu.memory_space<vmem_shared>>
      %dma_wait3A_49 = tpu.memref_slice %arg2[%mul3A_0, %mul3A_2] : memref<10000x128xf32, #tpu.memory_space<hbm>> -> memref<625x64xf32, #tpu.memory_space<hbm>>
      tpu.wait_dma2 semaphore(%run_scoped3A_43 : memref<!tpu.dma_semaphore, #tpu.memory_space<semaphore_mem>>) src(%dma_wait3A_49 : memref<625x64xf32, #tpu.memory_space<hbm>>) dst(%dma_wait3A_48 : memref<625x64xf32, #tpu.memory_space<vmem_shared>>)
      tpu.yield
    }) : () -> ()
    "tpu.region"() ({
      %run_scoped3A_43 = tpu.sem_alloc : memref<!tpu.dma_semaphore, #tpu.memory_space<semaphore_mem>>
      %dma_start3A_44 = arith.constant 0 : i32
      %dma_start3A_45 = tpu.memref_slice %arg10[%mul3A_0, %dma_start3A_44] : memref<10000x64xf32, #tpu.memory_space<vmem_shared>> -> memref<625x64xf32, #tpu.memory_space<vmem_shared>>
      %dma_start3A_46 = tpu.memref_slice %arg2[%mul3A_0, %mul3A_2] : memref<10000x128xf32, #tpu.memory_space<hbm>> -> memref<625x64xf32, #tpu.memory_space<hbm>>
      tpu.enqueue_dma source(%dma_start3A_46 : memref<625x64xf32, #tpu.memory_space<hbm>>) target(%dma_start3A_45 : memref<625x64xf32, #tpu.memory_space<vmem_shared>>) target_semaphore(%run_scoped3A_43 : memref<!tpu.dma_semaphore, #tpu.memory_space<semaphore_mem>>)
      %dma_wait3A_47 = arith.constant 0 : i32
      %dma_wait3A_48 = tpu.memref_slice %arg10[%mul3A_0, %dma_wait3A_47] : memref<10000x64xf32, #tpu.memory_space<vmem_shared>> -> memref<625x64xf32, #tpu.memory_space<vmem_shared>>
      %dma_wait3A_49 = tpu.memref_slice %arg2[%mul3A_0, %mul3A_2] : memref<10000x128xf32, #tpu.memory_space<hbm>> -> memref<625x64xf32, #tpu.memory_space<hbm>>
      tpu.wait_dma2 semaphore(%run_scoped3A_43 : memref<!tpu.dma_semaphore, #tpu.memory_space<semaphore_mem>>) src(%dma_wait3A_49 : memref<625x64xf32, #tpu.memory_space<hbm>>) dst(%dma_wait3A_48 : memref<625x64xf32, #tpu.memory_space<vmem_shared>>)
      tpu.yield
    }) : () -> ()
    %run_scoped3A = arith.constant 0 : i32
    "tpu.region"() ({
      %run_scoped3A_43 = tpu.sem_alloc : memref<!tpu.dma_semaphore, #tpu.memory_space<semaphore_mem>>
      %dma_start3A_44 = arith.constant 0 : i32
      %dma_start3A_45 = arith.constant 0 : i32
      %dma_start3A_46 = tpu.memref_slice %arg3[%run_scoped3A, %arg1, %dma_start3A_44, %dma_start3A_45] : memref<2x16x250x80xi32, #tpu.memory_space<hbm>> -> memref<1x1x250x80xi32, #tpu.memory_space<hbm>>
      %dma_start3A_47 = tpu.memref_squeeze %dma_start3A_46 : memref<1x1x250x80xi32, #tpu.memory_space<hbm>> -> memref<250x80xi32, #tpu.memory_space<hbm>>
      %dma_start3A_48 = arith.constant 0 : i32
      %dma_start3A_49 = arith.constant 0 : i32
      %dma_start3A_50 = tpu.memref_slice %arg3[%run_scoped3A, %arg1, %dma_start3A_48, %dma_start3A_49] : memref<2x16x250x80xi32, #tpu.memory_space<hbm>> -> memref<1x1x250x80xi32, #tpu.memory_space<hbm>>
      %dma_start3A_51 = tpu.memref_squeeze %dma_start3A_50 : memref<1x1x250x80xi32, #tpu.memory_space<hbm>> -> memref<250x80xi32, #tpu.memory_space<hbm>>
      tpu.enqueue_dma source(%dma_start3A_51 : memref<250x80xi32, #tpu.memory_space<hbm>>) target(%arg5 : memref<250x80xi32, #tpu.memory_space<vmem>>) target_semaphore(%run_scoped3A_43 : memref<!tpu.dma_semaphore, #tpu.memory_space<semaphore_mem>>)
      %dma_wait3A_52 = arith.constant 0 : i32
      %dma_wait3A_53 = arith.constant 0 : i32
      %dma_wait3A_54 = tpu.memref_slice %arg3[%run_scoped3A, %arg1, %dma_wait3A_52, %dma_wait3A_53] : memref<2x16x250x80xi32, #tpu.memory_space<hbm>> -> memref<1x1x250x80xi32, #tpu.memory_space<hbm>>
      %dma_wait3A_55 = tpu.memref_squeeze %dma_wait3A_54 : memref<1x1x250x80xi32, #tpu.memory_space<hbm>> -> memref<250x80xi32, #tpu.memory_space<hbm>>
      %dma_wait3A_56 = arith.constant 0 : i32
      %dma_wait3A_57 = arith.constant 0 : i32
      %dma_wait3A_58 = tpu.memref_slice %arg3[%run_scoped3A, %arg1, %dma_wait3A_56, %dma_wait3A_57] : memref<2x16x250x80xi32, #tpu.memory_space<hbm>> -> memref<1x1x250x80xi32, #tpu.memory_space<hbm>>
      %dma_wait3A_59 = tpu.memref_squeeze %dma_wait3A_58 : memref<1x1x250x80xi32, #tpu.memory_space<hbm>> -> memref<250x80xi32, #tpu.memory_space<hbm>>
      tpu.wait_dma2 semaphore(%run_scoped3A_43 : memref<!tpu.dma_semaphore, #tpu.memory_space<semaphore_mem>>) src(%dma_wait3A_59 : memref<250x80xi32, #tpu.memory_space<hbm>>) dst(%arg5 : memref<250x80xi32, #tpu.memory_space<vmem>>)
      tpu.yield
    }) : () -> ()
    %run_scoped3A_3 = arith.constant 1 : i32
    "tpu.region"() ({
      %run_scoped3A_43 = tpu.sem_alloc : memref<!tpu.dma_semaphore, #tpu.memory_space<semaphore_mem>>
      %dma_start3A_44 = arith.constant 0 : i32
      %dma_start3A_45 = arith.constant 0 : i32
      %dma_start3A_46 = tpu.memref_slice %arg3[%run_scoped3A_3, %arg1, %dma_start3A_44, %dma_start3A_45] : memref<2x16x250x80xi32, #tpu.memory_space<hbm>> -> memref<1x1x250x80xi32, #tpu.memory_space<hbm>>
      %dma_start3A_47 = tpu.memref_squeeze %dma_start3A_46 : memref<1x1x250x80xi32, #tpu.memory_space<hbm>> -> memref<250x80xi32, #tpu.memory_space<hbm>>
      %dma_start3A_48 = arith.constant 0 : i32
      %dma_start3A_49 = arith.constant 0 : i32
      %dma_start3A_50 = tpu.memref_slice %arg3[%run_scoped3A_3, %arg1, %dma_start3A_48, %dma_start3A_49] : memref<2x16x250x80xi32, #tpu.memory_space<hbm>> -> memref<1x1x250x80xi32, #tpu.memory_space<hbm>>
      %dma_start3A_51 = tpu.memref_squeeze %dma_start3A_50 : memref<1x1x250x80xi32, #tpu.memory_space<hbm>> -> memref<250x80xi32, #tpu.memory_space<hbm>>
      tpu.enqueue_dma source(%dma_start3A_51 : memref<250x80xi32, #tpu.memory_space<hbm>>) target(%arg6 : memref<250x80xi32, #tpu.memory_space<vmem>>) target_semaphore(%run_scoped3A_43 : memref<!tpu.dma_semaphore, #tpu.memory_space<semaphore_mem>>)
      %dma_wait3A_52 = arith.constant 0 : i32
      %dma_wait3A_53 = arith.constant 0 : i32
      %dma_wait3A_54 = tpu.memref_slice %arg3[%run_scoped3A_3, %arg1, %dma_wait3A_52, %dma_wait3A_53] : memref<2x16x250x80xi32, #tpu.memory_space<hbm>> -> memref<1x1x250x80xi32, #tpu.memory_space<hbm>>
      %dma_wait3A_55 = tpu.memref_squeeze %dma_wait3A_54 : memref<1x1x250x80xi32, #tpu.memory_space<hbm>> -> memref<250x80xi32, #tpu.memory_space<hbm>>
      %dma_wait3A_56 = arith.constant 0 : i32
      %dma_wait3A_57 = arith.constant 0 : i32
      %dma_wait3A_58 = tpu.memref_slice %arg3[%run_scoped3A_3, %arg1, %dma_wait3A_56, %dma_wait3A_57] : memref<2x16x250x80xi32, #tpu.memory_space<hbm>> -> memref<1x1x250x80xi32, #tpu.memory_space<hbm>>
      %dma_wait3A_59 = tpu.memref_squeeze %dma_wait3A_58 : memref<1x1x250x80xi32, #tpu.memory_space<hbm>> -> memref<250x80xi32, #tpu.memory_space<hbm>>
      tpu.wait_dma2 semaphore(%run_scoped3A_43 : memref<!tpu.dma_semaphore, #tpu.memory_space<semaphore_mem>>) src(%dma_wait3A_59 : memref<250x80xi32, #tpu.memory_space<hbm>>) dst(%arg6 : memref<250x80xi32, #tpu.memory_space<vmem>>)
      tpu.yield
    }) : () -> ()
    %barrier3A = arith.constant 0 : index
    tpu.barrier barrier_id(%barrier3A)
    %rem3A = arith.constant 0 : i32
    %rem3A_4 = arith.constant 250 : i32
    %rem3A_5 = arith.remsi %rem3A, %rem3A_4 : i32
    %dma_start3A = arith.constant 0 : i32
    %dma_start3A_6 = tpu.memref_slice %arg5[%rem3A_5, %dma_start3A] : memref<250x80xi32, #tpu.memory_space<vmem>> -> memref<1x80xi32, #tpu.memory_space<vmem>>
    %dma_start3A_7 = tpu.memref_squeeze %dma_start3A_6 : memref<1x80xi32, #tpu.memory_space<vmem>> -> memref<80xi32, #tpu.memory_space<vmem>>
    %dma_start3A_8 = arith.constant 0 : i32
    %dma_start3A_9 = arith.constant 0 : i32
    %dma_start3A_10 = tpu.memref_slice %arg10[%dma_start3A_8, %dma_start3A_9] : memref<10000x64xf32, #tpu.memory_space<vmem_shared>> -> memref<10000x64xf32, #tpu.memory_space<vmem_shared>>
    tpu.enqueue_indirect_dma source(%dma_start3A_10 : memref<10000x64xf32, #tpu.memory_space<vmem_shared>>) target(%arg7 : memref<80x64xf32, #tpu.memory_space<vmem>>) offsets(%dma_start3A_7 : memref<80xi32, #tpu.memory_space<vmem>>) semaphore(%arg11 : memref<!tpu.dma_semaphore, #tpu.memory_space<semaphore_mem>>)
    %rem3A_11 = arith.constant 1 : i32
    %rem3A_12 = arith.constant 250 : i32
    %rem3A_13 = arith.remsi %rem3A_11, %rem3A_12 : i32
    %dma_start3A_14 = arith.constant 0 : i32
    %dma_start3A_15 = tpu.memref_slice %arg5[%rem3A_13, %dma_start3A_14] : memref<250x80xi32, #tpu.memory_space<vmem>> -> memref<1x80xi32, #tpu.memory_space<vmem>>
    %dma_start3A_16 = tpu.memref_squeeze %dma_start3A_15 : memref<1x80xi32, #tpu.memory_space<vmem>> -> memref<80xi32, #tpu.memory_space<vmem>>
    %dma_start3A_17 = arith.constant 0 : i32
    %dma_start3A_18 = arith.constant 0 : i32
    %dma_start3A_19 = tpu.memref_slice %arg10[%dma_start3A_17, %dma_start3A_18] : memref<10000x64xf32, #tpu.memory_space<vmem_shared>> -> memref<10000x64xf32, #tpu.memory_space<vmem_shared>>
    tpu.enqueue_indirect_dma source(%dma_start3A_19 : memref<10000x64xf32, #tpu.memory_space<vmem_shared>>) target(%arg8 : memref<80x64xf32, #tpu.memory_space<vmem>>) offsets(%dma_start3A_16 : memref<80xi32, #tpu.memory_space<vmem>>) semaphore(%arg12 : memref<!tpu.dma_semaphore, #tpu.memory_space<semaphore_mem>>)
    %scan3A = arith.constant 0 : i32
    %scan3A_20 = arith.constant 0 : i32
    %scan3A_21 = arith.constant 125 : i32
    %scan3A_22 = arith.addi %scan3A_20, %scan3A_21 : i32
    %scan3A_23 = arith.constant 1 : i32
    scf.for %scan3A_43 = %scan3A_20 to %scan3A_22 step %scan3A_23  : i32 {
      %mul3A_44 = arith.constant 2 : i32
      %mul3A_45 = arith.muli %scan3A_43, %mul3A_44 : i32
      %add3A = arith.constant 0 : i32
      %add3A_46 = arith.addi %mul3A_45, %add3A : i32
      %rem3A_47 = arith.constant 250 : i32
      %rem3A_48 = arith.remsi %add3A_46, %rem3A_47 : i32
      %dma_wait3A_49 = arith.constant 0 : i32
      %dma_wait3A_50 = tpu.memref_slice %arg5[%rem3A_48, %dma_wait3A_49] : memref<250x80xi32, #tpu.memory_space<vmem>> -> memref<1x80xi32, #tpu.memory_space<vmem>>
      %dma_wait3A_51 = tpu.memref_squeeze %dma_wait3A_50 : memref<1x80xi32, #tpu.memory_space<vmem>> -> memref<80xi32, #tpu.memory_space<vmem>>
      %dma_wait3A_52 = arith.constant 0 : i32
      %dma_wait3A_53 = arith.constant 0 : i32
      %dma_wait3A_54 = tpu.memref_slice %arg10[%dma_wait3A_52, %dma_wait3A_53] : memref<10000x64xf32, #tpu.memory_space<vmem_shared>> -> memref<10000x64xf32, #tpu.memory_space<vmem_shared>>
      tpu.wait_indirect_dma semaphore(%arg11 : memref<!tpu.dma_semaphore, #tpu.memory_space<semaphore_mem>>) src(%dma_wait3A_54 : memref<10000x64xf32, #tpu.memory_space<vmem_shared>>) dst(%arg7 : memref<80x64xf32, #tpu.memory_space<vmem>>)
      %add3A_55 = arith.constant 0 : i32
      %add3A_56 = arith.addi %mul3A_45, %add3A_55 : i32
      %dma_start3A_57 = arith.constant 0 : i32
      %dma_start3A_58 = tpu.memref_slice %arg6[%add3A_56, %dma_start3A_57] : memref<250x80xi32, #tpu.memory_space<vmem>> -> memref<1x80xi32, #tpu.memory_space<vmem>>
      %dma_start3A_59 = tpu.memref_squeeze %dma_start3A_58 : memref<1x80xi32, #tpu.memory_space<vmem>> -> memref<80xi32, #tpu.memory_space<vmem>>
      %dma_start3A_60 = arith.constant 0 : i32
      %dma_start3A_61 = arith.constant 0 : i32
      %dma_start3A_62 = tpu.memref_slice %arg9[%dma_start3A_60, %dma_start3A_61] : memref<10000x64xf32, #tpu.memory_space<vmem_shared>> -> memref<10000x64xf32, #tpu.memory_space<vmem_shared>>
      tpu.enqueue_indirect_dma source(%arg7 : memref<80x64xf32, #tpu.memory_space<vmem>>) target(%dma_start3A_62 : memref<10000x64xf32, #tpu.memory_space<vmem_shared>>) offsets(%dma_start3A_59 : memref<80xi32, #tpu.memory_space<vmem>>) semaphore(%arg13 : memref<!tpu.dma_semaphore, #tpu.memory_space<semaphore_mem>>) {add = true}
      %add3A_63 = arith.constant 1 : i32
      %add3A_64 = arith.addi %mul3A_45, %add3A_63 : i32
      %rem3A_65 = arith.constant 250 : i32
      %rem3A_66 = arith.remsi %add3A_64, %rem3A_65 : i32
      %dma_wait3A_67 = arith.constant 0 : i32
      %dma_wait3A_68 = tpu.memref_slice %arg5[%rem3A_66, %dma_wait3A_67] : memref<250x80xi32, #tpu.memory_space<vmem>> -> memref<1x80xi32, #tpu.memory_space<vmem>>
      %dma_wait3A_69 = tpu.memref_squeeze %dma_wait3A_68 : memref<1x80xi32, #tpu.memory_space<vmem>> -> memref<80xi32, #tpu.memory_space<vmem>>
      %dma_wait3A_70 = arith.constant 0 : i32
      %dma_wait3A_71 = arith.constant 0 : i32
      %dma_wait3A_72 = tpu.memref_slice %arg10[%dma_wait3A_70, %dma_wait3A_71] : memref<10000x64xf32, #tpu.memory_space<vmem_shared>> -> memref<10000x64xf32, #tpu.memory_space<vmem_shared>>
      tpu.wait_indirect_dma semaphore(%arg12 : memref<!tpu.dma_semaphore, #tpu.memory_space<semaphore_mem>>) src(%dma_wait3A_72 : memref<10000x64xf32, #tpu.memory_space<vmem_shared>>) dst(%arg8 : memref<80x64xf32, #tpu.memory_space<vmem>>)
      %add3A_73 = arith.constant 1 : i32
      %add3A_74 = arith.addi %mul3A_45, %add3A_73 : i32
      %dma_start3A_75 = arith.constant 0 : i32
      %dma_start3A_76 = tpu.memref_slice %arg6[%add3A_74, %dma_start3A_75] : memref<250x80xi32, #tpu.memory_space<vmem>> -> memref<1x80xi32, #tpu.memory_space<vmem>>
      %dma_start3A_77 = tpu.memref_squeeze %dma_start3A_76 : memref<1x80xi32, #tpu.memory_space<vmem>> -> memref<80xi32, #tpu.memory_space<vmem>>
      %dma_start3A_78 = arith.constant 0 : i32
      %dma_start3A_79 = arith.constant 0 : i32
      %dma_start3A_80 = tpu.memref_slice %arg9[%dma_start3A_78, %dma_start3A_79] : memref<10000x64xf32, #tpu.memory_space<vmem_shared>> -> memref<10000x64xf32, #tpu.memory_space<vmem_shared>>
      tpu.enqueue_indirect_dma source(%arg8 : memref<80x64xf32, #tpu.memory_space<vmem>>) target(%dma_start3A_80 : memref<10000x64xf32, #tpu.memory_space<vmem_shared>>) offsets(%dma_start3A_77 : memref<80xi32, #tpu.memory_space<vmem>>) semaphore(%arg14 : memref<!tpu.dma_semaphore, #tpu.memory_space<semaphore_mem>>) {add = true}
      %add3A_81 = arith.constant 0 : i32
      %add3A_82 = arith.addi %mul3A_45, %add3A_81 : i32
      %dma_wait3A_83 = arith.constant 0 : i32
      %dma_wait3A_84 = tpu.memref_slice %arg6[%add3A_82, %dma_wait3A_83] : memref<250x80xi32, #tpu.memory_space<vmem>> -> memref<1x80xi32, #tpu.memory_space<vmem>>
      %dma_wait3A_85 = tpu.memref_squeeze %dma_wait3A_84 : memref<1x80xi32, #tpu.memory_space<vmem>> -> memref<80xi32, #tpu.memory_space<vmem>>
      %dma_wait3A_86 = arith.constant 0 : i32
      %dma_wait3A_87 = arith.constant 0 : i32
      %dma_wait3A_88 = tpu.memref_slice %arg9[%dma_wait3A_86, %dma_wait3A_87] : memref<10000x64xf32, #tpu.memory_space<vmem_shared>> -> memref<10000x64xf32, #tpu.memory_space<vmem_shared>>
      tpu.wait_indirect_dma semaphore(%arg13 : memref<!tpu.dma_semaphore, #tpu.memory_space<semaphore_mem>>) src(%arg7 : memref<80x64xf32, #tpu.memory_space<vmem>>) dst(%dma_wait3A_88 : memref<10000x64xf32, #tpu.memory_space<vmem_shared>>)
      %add3A_89 = arith.constant 2 : i32
      %add3A_90 = arith.addi %mul3A_45, %add3A_89 : i32
      %add3A_91 = arith.constant 0 : i32
      %add3A_92 = arith.addi %add3A_90, %add3A_91 : i32
      %rem3A_93 = arith.constant 250 : i32
      %rem3A_94 = arith.remsi %add3A_92, %rem3A_93 : i32
      %dma_start3A_95 = arith.constant 0 : i32
      %dma_start3A_96 = tpu.memref_slice %arg5[%rem3A_94, %dma_start3A_95] : memref<250x80xi32, #tpu.memory_space<vmem>> -> memref<1x80xi32, #tpu.memory_space<vmem>>
      %dma_start3A_97 = tpu.memref_squeeze %dma_start3A_96 : memref<1x80xi32, #tpu.memory_space<vmem>> -> memref<80xi32, #tpu.memory_space<vmem>>
      %dma_start3A_98 = arith.constant 0 : i32
      %dma_start3A_99 = arith.constant 0 : i32
      %dma_start3A_100 = tpu.memref_slice %arg10[%dma_start3A_98, %dma_start3A_99] : memref<10000x64xf32, #tpu.memory_space<vmem_shared>> -> memref<10000x64xf32, #tpu.memory_space<vmem_shared>>
      tpu.enqueue_indirect_dma source(%dma_start3A_100 : memref<10000x64xf32, #tpu.memory_space<vmem_shared>>) target(%arg7 : memref<80x64xf32, #tpu.memory_space<vmem>>) offsets(%dma_start3A_97 : memref<80xi32, #tpu.memory_space<vmem>>) semaphore(%arg11 : memref<!tpu.dma_semaphore, #tpu.memory_space<semaphore_mem>>)
      %add3A_101 = arith.constant 1 : i32
      %add3A_102 = arith.addi %mul3A_45, %add3A_101 : i32
      %dma_wait3A_103 = arith.constant 0 : i32
      %dma_wait3A_104 = tpu.memref_slice %arg6[%add3A_102, %dma_wait3A_103] : memref<250x80xi32, #tpu.memory_space<vmem>> -> memref<1x80xi32, #tpu.memory_space<vmem>>
      %dma_wait3A_105 = tpu.memref_squeeze %dma_wait3A_104 : memref<1x80xi32, #tpu.memory_space<vmem>> -> memref<80xi32, #tpu.memory_space<vmem>>
      %dma_wait3A_106 = arith.constant 0 : i32
      %dma_wait3A_107 = arith.constant 0 : i32
      %dma_wait3A_108 = tpu.memref_slice %arg9[%dma_wait3A_106, %dma_wait3A_107] : memref<10000x64xf32, #tpu.memory_space<vmem_shared>> -> memref<10000x64xf32, #tpu.memory_space<vmem_shared>>
      tpu.wait_indirect_dma semaphore(%arg14 : memref<!tpu.dma_semaphore, #tpu.memory_space<semaphore_mem>>) src(%arg8 : memref<80x64xf32, #tpu.memory_space<vmem>>) dst(%dma_wait3A_108 : memref<10000x64xf32, #tpu.memory_space<vmem_shared>>)
      %add3A_109 = arith.constant 2 : i32
      %add3A_110 = arith.addi %mul3A_45, %add3A_109 : i32
      %add3A_111 = arith.constant 1 : i32
      %add3A_112 = arith.addi %add3A_110, %add3A_111 : i32
      %rem3A_113 = arith.constant 250 : i32
      %rem3A_114 = arith.remsi %add3A_112, %rem3A_113 : i32
      %dma_start3A_115 = arith.constant 0 : i32
      %dma_start3A_116 = tpu.memref_slice %arg5[%rem3A_114, %dma_start3A_115] : memref<250x80xi32, #tpu.memory_space<vmem>> -> memref<1x80xi32, #tpu.memory_space<vmem>>
      %dma_start3A_117 = tpu.memref_squeeze %dma_start3A_116 : memref<1x80xi32, #tpu.memory_space<vmem>> -> memref<80xi32, #tpu.memory_space<vmem>>
      %dma_start3A_118 = arith.constant 0 : i32
      %dma_start3A_119 = arith.constant 0 : i32
      %dma_start3A_120 = tpu.memref_slice %arg10[%dma_start3A_118, %dma_start3A_119] : memref<10000x64xf32, #tpu.memory_space<vmem_shared>> -> memref<10000x64xf32, #tpu.memory_space<vmem_shared>>
      tpu.enqueue_indirect_dma source(%dma_start3A_120 : memref<10000x64xf32, #tpu.memory_space<vmem_shared>>) target(%arg8 : memref<80x64xf32, #tpu.memory_space<vmem>>) offsets(%dma_start3A_117 : memref<80xi32, #tpu.memory_space<vmem>>) semaphore(%arg12 : memref<!tpu.dma_semaphore, #tpu.memory_space<semaphore_mem>>)
    }
    %scan3A_24 = arith.constant 125 : i32
    %rem3A_25 = arith.constant 250 : i32
    %rem3A_26 = arith.constant 250 : i32
    %rem3A_27 = arith.remsi %rem3A_25, %rem3A_26 : i32
    %dma_wait3A = arith.constant 0 : i32
    %dma_wait3A_28 = tpu.memref_slice %arg5[%rem3A_27, %dma_wait3A] : memref<250x80xi32, #tpu.memory_space<vmem>> -> memref<1x80xi32, #tpu.memory_space<vmem>>
    %dma_wait3A_29 = tpu.memref_squeeze %dma_wait3A_28 : memref<1x80xi32, #tpu.memory_space<vmem>> -> memref<80xi32, #tpu.memory_space<vmem>>
    %dma_wait3A_30 = arith.constant 0 : i32
    %dma_wait3A_31 = arith.constant 0 : i32
    %dma_wait3A_32 = tpu.memref_slice %arg10[%dma_wait3A_30, %dma_wait3A_31] : memref<10000x64xf32, #tpu.memory_space<vmem_shared>> -> memref<10000x64xf32, #tpu.memory_space<vmem_shared>>
    tpu.wait_indirect_dma semaphore(%arg11 : memref<!tpu.dma_semaphore, #tpu.memory_space<semaphore_mem>>) src(%dma_wait3A_32 : memref<10000x64xf32, #tpu.memory_space<vmem_shared>>) dst(%arg7 : memref<80x64xf32, #tpu.memory_space<vmem>>)
    %rem3A_33 = arith.constant 251 : i32
    %rem3A_34 = arith.constant 250 : i32
    %rem3A_35 = arith.remsi %rem3A_33, %rem3A_34 : i32
    %dma_wait3A_36 = arith.constant 0 : i32
    %dma_wait3A_37 = tpu.memref_slice %arg5[%rem3A_35, %dma_wait3A_36] : memref<250x80xi32, #tpu.memory_space<vmem>> -> memref<1x80xi32, #tpu.memory_space<vmem>>
    %dma_wait3A_38 = tpu.memref_squeeze %dma_wait3A_37 : memref<1x80xi32, #tpu.memory_space<vmem>> -> memref<80xi32, #tpu.memory_space<vmem>>
    %dma_wait3A_39 = arith.constant 0 : i32
    %dma_wait3A_40 = arith.constant 0 : i32
    %dma_wait3A_41 = tpu.memref_slice %arg10[%dma_wait3A_39, %dma_wait3A_40] : memref<10000x64xf32, #tpu.memory_space<vmem_shared>> -> memref<10000x64xf32, #tpu.memory_space<vmem_shared>>
    tpu.wait_indirect_dma semaphore(%arg12 : memref<!tpu.dma_semaphore, #tpu.memory_space<semaphore_mem>>) src(%dma_wait3A_41 : memref<10000x64xf32, #tpu.memory_space<vmem_shared>>) dst(%arg8 : memref<80x64xf32, #tpu.memory_space<vmem>>)
    %barrier3A_42 = arith.constant 0 : index
    tpu.barrier barrier_id(%barrier3A_42)
    "tpu.region"() ({
      %run_scoped3A_43 = tpu.sem_alloc : memref<!tpu.dma_semaphore, #tpu.memory_space<semaphore_mem>>
      %dma_start3A_44 = tpu.memref_slice %arg4[%mul3A_0, %mul3A_2] : memref<10000x128xf32, #tpu.memory_space<hbm>> -> memref<625x64xf32, #tpu.memory_space<hbm>>
      %dma_start3A_45 = arith.constant 0 : i32
      %dma_start3A_46 = tpu.memref_slice %arg9[%mul3A_0, %dma_start3A_45] : memref<10000x64xf32, #tpu.memory_space<vmem_shared>> -> memref<625x64xf32, #tpu.memory_space<vmem_shared>>
      tpu.enqueue_dma source(%dma_start3A_46 : memref<625x64xf32, #tpu.memory_space<vmem_shared>>) target(%dma_start3A_44 : memref<625x64xf32, #tpu.memory_space<hbm>>) target_semaphore(%run_scoped3A_43 : memref<!tpu.dma_semaphore, #tpu.memory_space<semaphore_mem>>)
      %dma_wait3A_47 = tpu.memref_slice %arg4[%mul3A_0, %mul3A_2] : memref<10000x128xf32, #tpu.memory_space<hbm>> -> memref<625x64xf32, #tpu.memory_space<hbm>>
      %dma_wait3A_48 = arith.constant 0 : i32
      %dma_wait3A_49 = tpu.memref_slice %arg9[%mul3A_0, %dma_wait3A_48] : memref<10000x64xf32, #tpu.memory_space<vmem_shared>> -> memref<625x64xf32, #tpu.memory_space<vmem_shared>>
      tpu.wait_dma2 semaphore(%run_scoped3A_43 : memref<!tpu.dma_semaphore, #tpu.memory_space<semaphore_mem>>) src(%dma_wait3A_49 : memref<625x64xf32, #tpu.memory_space<vmem_shared>>) dst(%dma_wait3A_47 : memref<625x64xf32, #tpu.memory_space<hbm>>)
      tpu.yield
    }) : () -> ()
    return
  }
}

module attributes {stable_mosaic.version = 14 : i64} {
  func.func @_tc1_body(%arg0: i32, %arg1: memref<400x128xf32, #tpu.memory_space<vmem>>, %arg2: memref<128x128xf32, #tpu.memory_space<vmem>>, %arg3: memref<2x400x64xf32, #tpu.memory_space<vmem>>, %arg4: memref<400x128xf32, #tpu.memory_space<vmem>>) attributes {dimension_semantics = [#tpu.dimension_semantics<arbitrary>], iteration_bounds = array<i64: 25>, scalar_prefetch = 0 : i64, scratch_operands = 0 : i64, tpu.core_type = #tpu.core_type<tc>, window_params = [{transform_indices = @transform_0, window_bounds = array<i64: 400, 128>}, {pipeline_mode = #tpu.pipeline_mode<synchronous>, transform_indices = @transform_1, window_bounds = array<i64: 128, 128>}, {transform_indices = @transform_2, window_bounds = array<i64: 2, 400, 64>}, {transform_indices = @transform_3, window_bounds = array<i64: 400, 128>}]} {
    %get3A = arith.constant 0 : index
    %get3A_0 = arith.constant 0 : index
    %get3A_1 = vector.load %arg1[%get3A, %get3A_0] : memref<400x128xf32, #tpu.memory_space<vmem>>, vector<400x128xf32>
    %get3A_2 = arith.constant 0 : index
    %get3A_3 = arith.constant 0 : index
    %get3A_4 = vector.load %arg2[%get3A_2, %get3A_3] : memref<128x128xf32, #tpu.memory_space<vmem>>, vector<128x128xf32>
    %dot_general3A = arith.constant dense<0.000000e+00> : vector<400x128xf32>
    %dot_general3A_5 = tpu.matmul %get3A_1, %get3A_4, %dot_general3A {dimension_numbers = #tpu.dot_dimension_numbers<[1], [0], [0], [1], [0, 0, 1, 1], [], []>, transpose_lhs_hint = false} : vector<400x128xf32>, vector<128x128xf32>, vector<400x128xf32> -> vector<400x128xf32>
    %get3A_6 = arith.constant 0 : index
    %get3A_7 = arith.constant 0 : index
    %get3A_8 = arith.constant 0 : index
    %get3A_9 = vector.load %arg3[%get3A_6, %get3A_7, %get3A_8] : memref<2x400x64xf32, #tpu.memory_space<vmem>>, vector<1x400x64xf32>
    %get3A_10 = vector.shape_cast %get3A_9 : vector<1x400x64xf32> to vector<400x64xf32>
    %get3A_11 = arith.constant 1 : index
    %get3A_12 = arith.constant 0 : index
    %get3A_13 = arith.constant 0 : index
    %get3A_14 = vector.load %arg3[%get3A_11, %get3A_12, %get3A_13] : memref<2x400x64xf32, #tpu.memory_space<vmem>>, vector<1x400x64xf32>
    %get3A_15 = vector.shape_cast %get3A_14 : vector<1x400x64xf32> to vector<400x64xf32>
    %add3A = arith.addf %get3A_10, %get3A_15 : vector<400x64xf32>
    %add3A_16 = arith.constant 1.000000e+00 : f32
    %add3A_17 = vector.broadcast %add3A_16 : f32 to vector<400x64xf32>
    %add3A_18 = arith.addf %add3A, %add3A_17 : vector<400x64xf32>
    %rsqrt3A = math.rsqrt %add3A_18 : vector<400x64xf32>
    %concatenate3A = tpu.concatenate %rsqrt3A, %rsqrt3A in 1 : vector<400x64xf32>, vector<400x64xf32> -> vector<400x128xf32>
    %mul3A = arith.mulf %dot_general3A_5, %concatenate3A : vector<400x128xf32>
    %swap3A = arith.constant 0 : index
    %swap3A_19 = arith.constant 0 : index
    %swap3A_20 = vector.load %arg4[%swap3A, %swap3A_19] : memref<400x128xf32, #tpu.memory_space<vmem>>, vector<400x128xf32>
    tpu.vector_store %arg4[%swap3A, %swap3A_19], %mul3A {strides = array<i32>} : memref<400x128xf32, #tpu.memory_space<vmem>>, vector<400x128xf32>,
    return
  }
  func.func @transform_0(%arg0: i32) -> (i32, i32) {
    %c0_i32 = arith.constant 0 : i32
    %c0_i32_0 = arith.constant 0 : i32
    return %arg0, %c0_i32 : i32, i32
  }
  func.func @transform_1(%arg0: i32) -> (i32, i32) {
    %c0_i32 = arith.constant 0 : i32
    %c0_i32_0 = arith.constant 0 : i32
    %c0_i32_1 = arith.constant 0 : i32
    return %c0_i32, %c0_i32_0 : i32, i32
  }
  func.func @transform_2(%arg0: i32) -> (i32, i32, i32) {
    %c0_i32 = arith.constant 0 : i32
    %c0_i32_0 = arith.constant 0 : i32
    %c0_i32_1 = arith.constant 0 : i32
    return %c0_i32, %arg0, %c0_i32_0 : i32, i32, i32
  }
  func.func @transform_3(%arg0: i32) -> (i32, i32) {
    %c0_i32 = arith.constant 0 : i32
    %c0_i32_0 = arith.constant 0 : i32
    return %arg0, %c0_i32 : i32, i32
  }
}

module attributes {stable_mosaic.version = 14 : i64} {
  func.func @_tc2_body(%arg0: i32, %arg1: memref<400x128xf32, #tpu.memory_space<vmem>>, %arg2: memref<2x400x64xf32, #tpu.memory_space<vmem>>, %arg3: memref<1x128xf32, #tpu.memory_space<vmem>>, %arg4: memref<128x128xf32, #tpu.memory_space<vmem>>, %arg5: memref<400x128xf32, #tpu.memory_space<vmem>>) attributes {dimension_semantics = [#tpu.dimension_semantics<arbitrary>], iteration_bounds = array<i64: 25>, scalar_prefetch = 0 : i64, scratch_operands = 0 : i64, tpu.core_type = #tpu.core_type<tc>, window_params = [{transform_indices = @transform_0, window_bounds = array<i64: 400, 128>}, {transform_indices = @transform_1, window_bounds = array<i64: 2, 400, 64>}, {pipeline_mode = #tpu.pipeline_mode<synchronous>, transform_indices = @transform_2, window_bounds = array<i64: 1, 128>}, {pipeline_mode = #tpu.pipeline_mode<synchronous>, transform_indices = @transform_3, window_bounds = array<i64: 128, 128>}, {transform_indices = @transform_4, window_bounds = array<i64: 400, 128>}]} {
    %get3A = arith.constant 0 : index
    %get3A_0 = arith.constant 0 : index
    %get3A_1 = arith.constant 0 : index
    %get3A_2 = vector.load %arg2[%get3A, %get3A_0, %get3A_1] : memref<2x400x64xf32, #tpu.memory_space<vmem>>, vector<1x400x64xf32>
    %get3A_3 = vector.shape_cast %get3A_2 : vector<1x400x64xf32> to vector<400x64xf32>
    %get3A_4 = arith.constant 1 : index
    %get3A_5 = arith.constant 0 : index
    %get3A_6 = arith.constant 0 : index
    %get3A_7 = vector.load %arg2[%get3A_4, %get3A_5, %get3A_6] : memref<2x400x64xf32, #tpu.memory_space<vmem>>, vector<1x400x64xf32>
    %get3A_8 = vector.shape_cast %get3A_7 : vector<1x400x64xf32> to vector<400x64xf32>
    %add3A = arith.addf %get3A_3, %get3A_8 : vector<400x64xf32>
    %add3A_9 = arith.constant 1.000000e+00 : f32
    %add3A_10 = vector.broadcast %add3A_9 : f32 to vector<400x64xf32>
    %add3A_11 = arith.addf %add3A, %add3A_10 : vector<400x64xf32>
    %rsqrt3A = math.rsqrt %add3A_11 : vector<400x64xf32>
    %concatenate3A = tpu.concatenate %rsqrt3A, %rsqrt3A in 1 : vector<400x64xf32>, vector<400x64xf32> -> vector<400x128xf32>
    %get3A_12 = arith.constant 0 : index
    %get3A_13 = arith.constant 0 : index
    %get3A_14 = vector.load %arg1[%get3A_12, %get3A_13] : memref<400x128xf32, #tpu.memory_space<vmem>>, vector<400x128xf32>
    %mul3A = arith.mulf %get3A_14, %concatenate3A : vector<400x128xf32>
    %get3A_15 = arith.constant 0 : index
    %get3A_16 = arith.constant 0 : index
    %get3A_17 = vector.load %arg3[%get3A_15, %get3A_16] : memref<1x128xf32, #tpu.memory_space<vmem>>, vector<1x128xf32>
    %add3A_18 = vector.broadcast %get3A_17 : vector<1x128xf32> to vector<400x128xf32>
    %add3A_19 = arith.addf %mul3A, %add3A_18 : vector<400x128xf32>
    %max3A = arith.constant 0.000000e+00 : f32
    %max3A_20 = vector.broadcast %max3A : f32 to vector<400x128xf32>
    %max3A_21 = arith.maximumf %add3A_19, %max3A_20 : vector<400x128xf32>
    %get3A_22 = arith.constant 0 : index
    %get3A_23 = arith.constant 0 : index
    %get3A_24 = vector.load %arg4[%get3A_22, %get3A_23] : memref<128x128xf32, #tpu.memory_space<vmem>>, vector<128x128xf32>
    %dot_general3A = arith.constant dense<0.000000e+00> : vector<400x128xf32>
    %dot_general3A_25 = tpu.matmul %max3A_21, %get3A_24, %dot_general3A {dimension_numbers = #tpu.dot_dimension_numbers<[1], [0], [0], [1], [0, 0, 1, 1], [], []>, transpose_lhs_hint = false} : vector<400x128xf32>, vector<128x128xf32>, vector<400x128xf32> -> vector<400x128xf32>
    %mul3A_26 = arith.mulf %dot_general3A_25, %concatenate3A : vector<400x128xf32>
    %swap3A = arith.constant 0 : index
    %swap3A_27 = arith.constant 0 : index
    %swap3A_28 = vector.load %arg5[%swap3A, %swap3A_27] : memref<400x128xf32, #tpu.memory_space<vmem>>, vector<400x128xf32>
    tpu.vector_store %arg5[%swap3A, %swap3A_27], %mul3A_26 {strides = array<i32>} : memref<400x128xf32, #tpu.memory_space<vmem>>, vector<400x128xf32>,
    return
  }
  func.func @transform_0(%arg0: i32) -> (i32, i32) {
    %c0_i32 = arith.constant 0 : i32
    %c0_i32_0 = arith.constant 0 : i32
    return %arg0, %c0_i32 : i32, i32
  }
  func.func @transform_1(%arg0: i32) -> (i32, i32, i32) {
    %c0_i32 = arith.constant 0 : i32
    %c0_i32_0 = arith.constant 0 : i32
    %c0_i32_1 = arith.constant 0 : i32
    return %c0_i32, %arg0, %c0_i32_0 : i32, i32, i32
  }
  func.func @transform_2(%arg0: i32) -> (i32, i32) {
    %c0_i32 = arith.constant 0 : i32
    %c0_i32_0 = arith.constant 0 : i32
    %c0_i32_1 = arith.constant 0 : i32
    return %c0_i32, %c0_i32_0 : i32, i32
  }
  func.func @transform_3(%arg0: i32) -> (i32, i32) {
    %c0_i32 = arith.constant 0 : i32
    %c0_i32_0 = arith.constant 0 : i32
    %c0_i32_1 = arith.constant 0 : i32
    return %c0_i32, %c0_i32_0 : i32, i32
  }
  func.func @transform_4(%arg0: i32) -> (i32, i32) {
    %c0_i32 = arith.constant 0 : i32
    %c0_i32_0 = arith.constant 0 : i32
    return %arg0, %c0_i32 : i32, i32
  }
}

module attributes {stable_mosaic.version = 14 : i64} {
  func.func @_tc3_body(%arg0: i32, %arg1: memref<400x128xf32, #tpu.memory_space<vmem>>, %arg2: memref<2x400x64xf32, #tpu.memory_space<vmem>>, %arg3: memref<1x128xf32, #tpu.memory_space<vmem>>, %arg4: memref<400x128xf32, #tpu.memory_space<vmem>>) attributes {dimension_semantics = [#tpu.dimension_semantics<arbitrary>], iteration_bounds = array<i64: 25>, scalar_prefetch = 0 : i64, scratch_operands = 0 : i64, tpu.core_type = #tpu.core_type<tc>, window_params = [{transform_indices = @transform_0, window_bounds = array<i64: 400, 128>}, {transform_indices = @transform_1, window_bounds = array<i64: 2, 400, 64>}, {pipeline_mode = #tpu.pipeline_mode<synchronous>, transform_indices = @transform_2, window_bounds = array<i64: 1, 128>}, {transform_indices = @transform_3, window_bounds = array<i64: 400, 128>}]} {
    %get3A = arith.constant 0 : index
    %get3A_0 = arith.constant 0 : index
    %get3A_1 = vector.load %arg1[%get3A, %get3A_0] : memref<400x128xf32, #tpu.memory_space<vmem>>, vector<400x128xf32>
    %get3A_2 = arith.constant 0 : index
    %get3A_3 = arith.constant 0 : index
    %get3A_4 = arith.constant 0 : index
    %get3A_5 = vector.load %arg2[%get3A_2, %get3A_3, %get3A_4] : memref<2x400x64xf32, #tpu.memory_space<vmem>>, vector<1x400x64xf32>
    %get3A_6 = vector.shape_cast %get3A_5 : vector<1x400x64xf32> to vector<400x64xf32>
    %get3A_7 = arith.constant 1 : index
    %get3A_8 = arith.constant 0 : index
    %get3A_9 = arith.constant 0 : index
    %get3A_10 = vector.load %arg2[%get3A_7, %get3A_8, %get3A_9] : memref<2x400x64xf32, #tpu.memory_space<vmem>>, vector<1x400x64xf32>
    %get3A_11 = vector.shape_cast %get3A_10 : vector<1x400x64xf32> to vector<400x64xf32>
    %add3A = arith.addf %get3A_6, %get3A_11 : vector<400x64xf32>
    %add3A_12 = arith.constant 1.000000e+00 : f32
    %add3A_13 = vector.broadcast %add3A_12 : f32 to vector<400x64xf32>
    %add3A_14 = arith.addf %add3A, %add3A_13 : vector<400x64xf32>
    %rsqrt3A = math.rsqrt %add3A_14 : vector<400x64xf32>
    %concatenate3A = tpu.concatenate %rsqrt3A, %rsqrt3A in 1 : vector<400x64xf32>, vector<400x64xf32> -> vector<400x128xf32>
    %mul3A = arith.mulf %get3A_1, %concatenate3A : vector<400x128xf32>
    %get3A_15 = arith.constant 0 : index
    %get3A_16 = arith.constant 0 : index
    %get3A_17 = vector.load %arg3[%get3A_15, %get3A_16] : memref<1x128xf32, #tpu.memory_space<vmem>>, vector<1x128xf32>
    %add3A_18 = vector.broadcast %get3A_17 : vector<1x128xf32> to vector<400x128xf32>
    %add3A_19 = arith.addf %mul3A, %add3A_18 : vector<400x128xf32>
    %swap3A = arith.constant 0 : index
    %swap3A_20 = arith.constant 0 : index
    %swap3A_21 = vector.load %arg4[%swap3A, %swap3A_20] : memref<400x128xf32, #tpu.memory_space<vmem>>, vector<400x128xf32>
    tpu.vector_store %arg4[%swap3A, %swap3A_20], %add3A_19 {strides = array<i32>} : memref<400x128xf32, #tpu.memory_space<vmem>>, vector<400x128xf32>,
    return
  }
  func.func @transform_0(%arg0: i32) -> (i32, i32) {
    %c0_i32 = arith.constant 0 : i32
    %c0_i32_0 = arith.constant 0 : i32
    return %arg0, %c0_i32 : i32, i32
  }
  func.func @transform_1(%arg0: i32) -> (i32, i32, i32) {
    %c0_i32 = arith.constant 0 : i32
    %c0_i32_0 = arith.constant 0 : i32
    %c0_i32_1 = arith.constant 0 : i32
    return %c0_i32, %arg0, %c0_i32_0 : i32, i32, i32
  }
  func.func @transform_2(%arg0: i32) -> (i32, i32) {
    %c0_i32 = arith.constant 0 : i32
    %c0_i32_0 = arith.constant 0 : i32
    %c0_i32_1 = arith.constant 0 : i32
    return %c0_i32, %c0_i32_0 : i32, i32
  }
  func.func @transform_3(%arg0: i32) -> (i32, i32) {
    %c0_i32 = arith.constant 0 : i32
    %c0_i32_0 = arith.constant 0 : i32
    return %arg0, %c0_i32 : i32, i32
  }
}

</mosaic_0001>

<sc_bundles>
// kernel: kernel.11.cloned.1.call-start
scs
__scs_entry_jumppad:
0x0: {  	(pc) =	sbr.rel $0x88, $3  }
0x1: {  	(tag) =	ssettag $0x0;
	lr =	simm.s32 $0x1  }
0x2: {  	[smem:$0x3F9B] =	sst lr;
	_ =	strace $0xD0000000  }
0x3: {  	_ = 	snop  }
0x4: {  	_ = 	snop  }
0x5: {  	_ = 	snop  }
0x6: {  	_ = 	snop  }
0x7: {  	_ = 	snop  }
__scs_overlays_trampoline_lowered:
0x8: {  	[smem:$0x3FAA] =	sst s0  }
0x9: {  	[smem:$0x3FAB] =	sst s1  }
0xa: {  	[smem:$0x3FAC] =	sst s2  }
0xb: {  	[smem:$0x3FAD] =	sst s3  }
0xc: {  	[smem:$0x3FAE] =	sst s4  }
0xd: {  	[smem:$0x3FAF] =	sst s5  }
0xe: {  	[smem:$0x3FB0] =	sst s6  }
0xf: {  	[smem:$0x3FB1] =	sst s7  }
0x10: {  	[smem:$0x3FB2] =	sst s8  }
0x11: {  	[smem:$0x3FB3] =	sst s9;
	s0 =	simm.s32 @!p0 $0x0  }
0x12: {  	s1 =	sld [smem:$0x3F99];
	s0 =	simm.s32 @p0 $0x1  }
0x13: {  	[smem:$0x3FB4] =	sst s0;
	s0 =	simm.s32 @!p1 $0x0  }
0x14: {  	s2 =	sld [smem:$0x3F98];
	s0 =	simm.s32 @p1 $0x1  }
0x15: {  	[smem:$0x3FB5] =	sst s0;
	s0 =	simm.s32 @!p2 $0x0  }
0x16: {  	s3 =	sld [smem:$0x3FDB];
	s0 =	simm.s32 @p2 $0x1  }
0x17: {  	s4 =	simm.s32 $0x1BF5;
	[smem:$0x3FB7] =	sst s0  }
0x18: {  	s0 =	sld [smem:$0x3F9A];
	_ =	swait.ge [sflag:s4], $0x0  }
0x19: {  	s7 =	sld [smem:$0x3F9B]  }
0x1a: {  	s8 =	sadd.s32 $0xFFFFE003, lr  }
0x1b: {  	s9 =	sadd.s32 $0xFFFFFEF7, lr;
	s5 =	simm.s32 $0xFFFFFFFF;
	p2 =	slt.u32 s8, $0xFFFFF086  }
0x1c: {  	p1 =	slt.u32 s9, $0xF7A;
	s5 =	simm.s32 @!p2 $0x0  }
0x1d: {  	s5 =	simm.s32 @p1 $0x1;
	p0 =	seq.s32 s7, s2  }
0x1e: {  	s7 =	smul.u32 @!p0 $0xF7A, s2;
	p2 =	seq.s32 @!p0 s5, $0x0  }
0x1f: {  	s9 =	smul.u32 $0xF7A, s1;
	s8 =	simm.s32 @!p0 $0x1BF5;
	p2 =	por !p2, p0  }
0x20: {  	[sflag:s8] =	ssyncset.s32 @!p0 $0xFFFFF086;
	s6 =	sadd.s32 @!p0 s3, s7;
	s7 =	simm.s32 @!p0 $0x108  }
0x21: {  	s3 =	sadd.s32 s3, s9;
	s6 =	sadd.s32 @!p0 $0x88, s6;
	s7 =	simm.s32 @p2 $0x1082  }
0x22: {  	[simem:s7], [sflag:s8] =	dma.local @!p0 [hbm:s6], $0xF7A  }
0x23: {  	s9 =	sor.u32 $0xD0000000, s2;
	s6 =	simm.s32 $0x108;
	_ =	swait.ge @!p0 [sflag:s8], $0x0  }
0x24: {  	s3 =	sadd.s32 $0x88, s3;
	s6 =	simm.s32 @!p1 $0x1082;
	[sflag:s4] =	ssyncset.s32 $0xFFFFF086  }
0x25: {  	[simem:s6], [sflag:s4] =	dma.local [hbm:s3], $0xF7A  }
0x26: {  	[smem:$0x3F9B] =	sst s1;
	(tag) =	ssettag s2;
	_ =	strace s9  }
0x27: {  	s1 =	sld [smem:$0x3FAB]  }
0x28: {  	s2 =	sld [smem:$0x3FAC]  }
0x29: {  	s4 =	sld [smem:$0x3FAE]  }
0x2a: {  	p0 =	seq.s32 s5, $0x0;
	s5 =	sld [smem:$0x3FAF]  }
0x2b: {  	s6 =	sld [smem:$0x3FB0]  }
0x2c: {  	s7 =	sld [smem:$0x3FB1]  }
0x2d: {  	s3 =	simm.s32 $0x108;
	s8 =	sld [smem:$0x3FB2]  }
0x2e: {  	s3 =	simm.s32 @!p0 $0x1082;
	s9 =	sld [smem:$0x3FB3]  }
0x2f: {  	lr =	sadd.s32 s0, s3;
	s0 =	sld [smem:$0x3FAA]  }
0x30: {  	s3 =	sld [smem:$0x3FAD]  }
0x31: {  	[smem:$0x3FB6] =	sst s10  }
0x32: {  	s10 =	sld [smem:$0x3FB4];
	_ =	sdelay $0x3  }
0x33: {  	p0 =	seq.s32 s10, $0x1;
	s10 =	sld [smem:$0x3FB6];
	_ =	sdelay $0x3  }
0x34: {  	[smem:$0x3FB6] =	sst s10  }
0x35: {  	s10 =	sld [smem:$0x3FB5];
	_ =	sdelay $0x3  }
0x36: {  	p1 =	seq.s32 s10, $0x1;
	s10 =	sld [smem:$0x3FB6];
	_ =	sdelay $0x3  }
0x37: {  	[smem:$0x3FB6] =	sst s10  }
0x38: {  	s10 =	sld [smem:$0x3FB7]  }
0x39: {  	_ = 	snop;
	(pc) =	sbr.ind lr, $3  }
0x3a: {  	_ = 	snop  }
0x3b: {  	_ = 	snop  }
0x3c: {  	p2 =	seq.s32 s10, $0x1;
	s10 =	sld [smem:$0x3FB6]  }
0x3d: {  	_ =	shalt  }
0x3e: {  	_ =	shalt  }
0x3f: {  	_ =	shalt  }
0x40: {  	_ =	shalt  }
0x41: {  	_ =	shalt  }
0x42: {  	_ =	shalt  }
0x43: {  	_ =	shalt  }
0x44: {  	_ =	shalt  }
0x45: {  	_ =	shalt  }
0x46: {  	_ =	shalt  }
0x47: {  	_ =	shalt  }
0x48: {  	_ =	shalt  }
0x49: {  	_ =	shalt  }
0x4a: {  	_ =	shalt  }
0x4b: {  	_ =	shalt  }
0x4c: {  	_ =	shalt  }
0x4d: {  	_ =	shalt  }
0x4e: {  	_ =	shalt  }
0x4f: {  	_ =	shalt  }
0x50: {  	_ =	shalt  }
0x51: {  	_ =	shalt  }
0x52: {  	_ =	shalt  }
0x53: {  	_ =	shalt  }
0x54: {  	_ =	shalt  }
0x55: {  	_ =	shalt  }
0x56: {  	_ =	shalt  }
0x57: {  	_ =	shalt  }
0x58: {  	_ =	shalt  }
0x59: {  	_ =	shalt  }
0x5a: {  	_ =	shalt  }
0x5b: {  	_ =	shalt  }
0x5c: {  	_ =	shalt  }
0x5d: {  	_ =	shalt  }
0x5e: {  	_ =	shalt  }
0x5f: {  	_ =	shalt  }
0x60: {  	_ =	shalt  }
0x61: {  	_ =	shalt  }
0x62: {  	_ =	shalt  }
0x63: {  	_ =	shalt  }
0x64: {  	_ =	shalt  }
0x65: {  	_ =	shalt  }
0x66: {  	_ =	shalt  }
0x67: {  	_ =	shalt  }
0x68: {  	_ =	shalt  }
0x69: {  	_ =	shalt  }
0x6a: {  	_ =	shalt  }
0x6b: {  	_ =	shalt  }
0x6c: {  	_ =	shalt  }
0x6d: {  	_ =	shalt  }
0x6e: {  	_ =	shalt  }
0x6f: {  	_ =	shalt  }
0x70: {  	_ =	shalt  }
0x71: {  	_ =	shalt  }
0x72: {  	_ =	shalt  }
0x73: {  	_ =	shalt  }
0x74: {  	_ =	shalt  }
0x75: {  	_ =	shalt  }
0x76: {  	_ =	shalt  }
0x77: {  	_ =	shalt  }
0x78: {  	_ =	shalt  }
0x79: {  	_ =	shalt  }
0x7a: {  	_ =	shalt  }
0x7b: {  	_ =	shalt  }
0x7c: {  	_ =	shalt  }
0x7d: {  	_ =	shalt  }
0x7e: {  	_ =	shalt  }
0x7f: {  	_ =	shalt  }
0x80: {  	_ =	shalt  }
0x81: {  	_ =	shalt  }
0x82: {  	_ =	shalt  }
0x83: {  	_ =	shalt  }
0x84: {  	_ =	shalt  }
0x85: {  	_ =	shalt  }
0x86: {  	_ =	shalt  }
0x87: {  	_ =	shalt  }
.Lfunc_end0:
.L_simem_size_0:
called_computation.1_lowered:
.L_overlay_start_0:
0x88: {  	s2 =	sld [smem:$0x3FD9]  }
0x89: {  	s3 =	sld [smem:$0x3FFE];
	_ =	sdelay $0x1  }
0x8a: {  	s1 =	srdreg.scid  }
0x8b: {  	s0 =	sand.u32 $0x1, s1  }
0x8c: {  	s17 =	sshll.u32 s0, $0xA;
	s2 =	sadd.s32 s3, s2  }
0x8d: {  	s2 =	sadd.s32 s2, s17  }
0x8e: {  	[smem:$0x3FC2] =	sst s2  }
0x8f: {  	_ = 	snop  }
0x90: {  	s2 =	sld [smem:$0x3FD0];
	(tm) =	ssettm $0x1  }
0x91: {  	s18 =	sld [smem:$0x3FFB];
	_ =	sdelay $0x3  }
0x92: {  	_ =	strace s18  }
0x93: {  	s3 =	sld [smem:$0x3FFC];
	_ =	sdelay $0x3  }
0x94: {  	_ =	strace s3  }
0x95: {  	s3 =	sld [smem:$0x3FFD];
	_ =	sdelay $0x3  }
0x96: {  	_ =	strace s3  }
0x97: {  	_ =	strace $0x8FFFFFFF  }
0x98: {  	s19 =	sld [smem:$0x3FDB];
	_ =	sdelay $0x1  }
0x99: {  	s4 =	simm.s32 $_scs_section_size  }
0x9a: {  	s5 =	simm.s32 $_size__tile_overlayer_lowered;
	s6 =	simm.s32 $_tile_overlayer_lowered  }
0x9b: {  	s22 =	simm.s32 $0x1BFF;
	s21 =	sshll.u32 s6, $0x1;
	s3 =	sadd.s32 s4, s19  }
0x9c: {  	s7 =	simm.s32 $0x0;
	s20 =	sshll.u32 s5, $0x1;
	s5 =	sadd.s32 s21, s3  }
0x9d: {  	[timem:s7], [sflag:s22] =	dma.local [hbm:s5], s20  }
0x9e: {  	_ =	swait.ge [sflag:s22], s20  }
0x9f: {  	s4 =	ssub.s32 $0x0, s20;
	[sflag:s22] =	ssyncset.done $0x0  }
0xa0: {  	[sflag:s22] =	ssyncadd.s32 s4;
	_ =	sdelay $0x1  }
0xa1: {  	s23 =	simm.s32 $0x1B8B  }
0xa2: {  	_ =	swait.ge [sflag:s23], $0x1  }
0xa3: {  	[sflag:s23] =	ssyncset.done $0x0  }
0xa4: {  	s25 =	simm.s32 $0x1B8E;
	s24 =	sld [smem:$0x3FFE];
	[sflag:s23] =	ssyncadd.s32 $0xFFFFFFFF  }
0xa5: {  	s26 =	simm.s32 $execute0_lowered;
	[smem:$0x3FD2] =	sst s25  }
0xa6: {  	s5 =	sshll.u32 s26, $0x1;
	_ =	strace $0x80000049;
	[dreg:$0x1] =	wrdreg $0xFFFFFFFF  }
0xa7: {  	s28 =	simm.s32 $_size_execute0_lowered;
	s3 =	sadd.s32 s3, s5;
	[dreg:$0x0] =	wrdreg $0x0  }
0xa8: {  	s5 =	sshll.u32 s28, $0x1;
	[dreg:$0x2] =	wrdreg s3  }
0xa9: {  	[dreg:$0x3] =	wrdreg s5  }
0xaa: {  	[dreg:$0x4] =	wrdreg $0xC0  }
0xab: {  	_ =	task [dreg:s7], $0x5FFFF  }
0xac: {  	[dreg:$0x1] =	wrdreg $0xFFFFFFFF  }
0xad: {  	[dreg:$0x0] =	wrdreg $0x60  }
0xae: {  	[dreg:$0x2] =	wrdreg s2  }
0xaf: {  	[dreg:$0x3] =	wrdreg s24  }
0xb0: {  	[dreg:$0x4] =	wrdreg $0xC4400  }
0xb1: {  	[dreg:$0x5] =	wrdreg $0x160800  }
0xb2: {  	[dreg:$0x6] =	wrdreg $0x9  }
0xb3: {  	_ =	task.clear_ibuf [dreg:s7], $0x7FFFF;
	_ =	strace $0x90000049  }
0xb4: {  	s29 =	simm.s32 $0x9;
	_ =	strace $0x8000004B  }
0xb5: {  	_ =	swait.ge [sflag:s29], $0x1  }
0xb6: {  	[sflag:s29] =	ssyncadd.s32 $0xFFFFFFFF  }
0xb7: {  	_ =	strace $0x9000004B  }
0xb8: {  	_ =	sfence  }
0xb9: {  	s30 =	sld [smem:$0x0];
	_ =	sdelay $0x2  }
0xba: {  	s31 =	sshll.u32 s1, $0xD;
	s1 =	sshrl.u32 s1, $0x2  }
0xbb: {  	s3 =	sand.u32 $0x4000, s31;
	s1 =	sadd.s32 s1, s30  }
0xbc: {  	s0 =	sor.u32 s3, s0;
	s1 =	sshll.u32 s1, $0x11  }
0xbd: {  	s0 =	sor.u32 s1, s0  }
0xbe: {  	s0 =	sadd.s32 $0x8F2B, s0  }
0xbf: {  	[sflag:s0] =	ssyncadd.remote.s32 $0x1  }
0xc0: {  	_ =	sfence.sel $0xFFFF  }
0xc1: {  	[dreg:$0x0] =	wrdreg $0xFFFFFFFF;
	(pc) =	sbr.abs _section_cstart, $3  }
0xc2: {  	[dreg:$0x1] =	wrdreg $0xFFFFFFFF  }
0xc3: {  	_ =	task.clear_ibuf [dreg:s7], $0x2FFFF;
	_ =	strace $0x9FFFFFFF  }
0xc4: {  	(tm) =	ssettm $0x7FFFFFFF  }
0xc5: {  	_ =	shalt  }
tec
execute0_lowered:
.L_overlay_start_1:
0x0: {  	(tag) =	ssettag $0x1  }
0x1: {  	s5 =	rddreg [dreg:$0x0]  }
0x2: {  	s6 =	rddreg [dreg:$0x1]  }
0x3: {  	s2 =	rddreg [dreg:$0x2]  }
0x4: {  	s3 =	rddreg [dreg:$0x3]  }
0x5: {  	s0 =	rddreg [dreg:$0x4];
	s1 =	stileid.u32  }
0x6: {  	s4 =	simm.s32 $0x0;
	s8 =	srdreg.scid;
	s15 =	simm.s32 $0x5  }
0x7: {  	s17 =	simm.s32 $0x4E20;
	s18 =	simm.s32 $0x50;
	s19 =	simm.s32 $0x9C40  }
0x8: {  	s20 =	simm.s32 $0xB040;
	s21 =	simm.s32 $0x2;
	s22 =	simm.s32 $0x3  }
0x9: {  	s23 =	simm.s32 $0x4;
	s24 =	simm.s32 $0x9BA0;
	s7 =	smul.u32 $0x4E20, s1  }
0xa: {  	s25 =	simm.s32 $0x9BF0;
	s26 =	simm.s32 $0x0;
	s9 =	smul.u32 $0x13880, s1  }
0xb: {  	[smem:$0x7FF] =	sst s4;
	s8 =	sand.u32 $0x1, s8;
	s30 =	smul.u32 $0x9C40, s1  }
0xc: {  	s31 =	sshll.u32 s1, $0x6;
	_ =	strace $0x8000004A;
	s10 =	sshll.u32 s8, $0x6  }
0xd: {  	s8 =	ssub.s32 $0x2, s8;
	s7 =	sshrl.u32 s7, $0x3;
	s28 =	sor.u32 s10, s9  }
0xe: {  	s29 =	sshrl.u32 s8, $0x1;
	s14 =	sadd.s32 s30, s2;
	s16 =	sadd.s32 s30, s3  }
0xf: {  	s11 =	sadd.s32 s7, s6;
	s7 =	sshrl.u32 s28, $0x3;
	s13 =	ssub.s32 s8, s29  }
0x10: {  	s16 =	sshrl.u32 s16, $0x3;
	s12 =	sadd.s32 s7, s6;
	s5 =	sadd.s32 s5, s7  }
0x11: {  	s6 =	sor.u32 $0x1C05, s31;
	s7 =	sadd.s32 $0x3000, s11;
	s8 =	sadd.s32 $0xCC40, s11  }
0x12: {  	s10 =	smax.u32 s13, $0x1;
	s11 =	sshrl.u32 s14, $0x3;
	s13 =	simm.s32 $0x8  }
0x13: {  	s14 =	simm.s32 $0x10;
	s9 =	sadd.s32 $0x16A00, s12;
	s12 =	simm.s32 $0x1  }
.LBB2_1:
0x14: {  	[spmem:s11@s13], [sflag:s6] =	dma.strided [hbm:s5@s14], $0x1388, s12, $0x8   }
0x15: {  	_ =	swait.ge [sflag:s15], $0x1388  }
0x16: {  	[sflag:s15] =	ssyncset.done $0x0  }
0x17: {  	[sflag:s15] =	ssyncadd.s32 $0xFFFFEC78  }
0x18: {  	[spmem:s16@s13], [sflag:s6] =	dma.strided [hbm:s5@s14], $0x1388, s12, $0x8   }
0x19: {  	_ =	swait.ge [sflag:s15], $0x1388  }
0x1a: {  	[sflag:s15] =	ssyncset.done $0x0  }
0x1b: {  	[sflag:s15] =	ssyncadd.s32 $0xFFFFEC78  }
0x1c: {  	[tilespmem:s4], [sflag:$0x5] =	stream.linear.gather [hbm4b:s7+s4], $0x4E20, $0x38;
	[tilespmem:$0x1FCC0] =	vst v63  }
0x1d: {  	_ =	swait.ge [sflag:s15], $0x4E20  }
0x1e: {  	[sflag:s15] =	ssyncset.done $0x0  }
0x1f: {  	[sflag:s15] =	ssyncadd.s32 $0xFFFFB1E0  }
0x20: {  	[tilespmem:s17], [sflag:$0x5] =	stream.linear.gather [hbm4b:s8+s4], $0x4E20, $0x38;
	[tilespmem:$0x1FCC0] =	vst v63  }
0x21: {  	_ =	swait.ge [sflag:s15], $0x4E20  }
0x22: {  	[sflag:s15] =	ssyncset.done $0x0  }
0x23: {  	[sflag:s15] =	ssyncadd.s32 $0xFFFFB1E0  }
0x24: {  	[bflag:$0x0] =	sbarrier.arrive $0xFFFF  }
0x25: {  	[tilespmem:s19], [sflag:$0x1] =	stream.indirect.gather [spmem:s3], $0x40, s4, s18, $0xb8;
	[tilespmem:$0x1FCC0] =	vst v63  }
0x26: {  	_ = 	snop  }
0x27: {  	[tilespmem:s20], [sflag:$0x2] =	stream.indirect.gather [spmem:s3], $0x40, s18, s18, $0xb8;
	[tilespmem:$0x1FCC0] =	vst v63  }
0x28: {  	_ =	swait.ge [sflag:s12], $0x1400  }
0x29: {  	[sflag:s12] =	ssyncset.done $0x0  }
0x2a: {  	s28 =	simm.s32 $0x4E20;
	[sflag:s12] =	ssyncadd.s32 $0xFFFFEC00  }
0x2b: {  	[spmem:s2] =	stream.indirect.scatter.add.f32 [tilespmem:s19], [sflag:$0x3], $0x40, s28, s18, $0xb8;
	[tilespmem:$0x1FCC0] =	vst v63  }
0x2c: {  	_ =	swait.ge [sflag:s21], $0x1400  }
0x2d: {  	[sflag:s21] =	ssyncset.done $0x0  }
0x2e: {  	s28 =	simm.s32 $0x4E70;
	[sflag:s21] =	ssyncadd.s32 $0xFFFFEC00  }
0x2f: {  	[spmem:s2] =	stream.indirect.scatter.add.f32 [tilespmem:s20], [sflag:$0x4], $0x40, s28, s18, $0xb8;
	[tilespmem:$0x1FCC0] =	vst v63  }
0x30: {  	_ =	swait.ge [sflag:s22], $0x1400  }
0x31: {  	[sflag:s22] =	ssyncset.done $0x0  }
0x32: {  	s28 =	simm.s32 $0xA0;
	[sflag:s22] =	ssyncadd.s32 $0xFFFFEC00  }
0x33: {  	[tilespmem:s19], [sflag:$0x1] =	stream.indirect.gather [spmem:s3], $0x40, s28, s18, $0xb8;
	[tilespmem:$0x1FCC0] =	vst v63  }
0x34: {  	_ =	swait.ge [sflag:s23], $0x1400  }
0x35: {  	[sflag:s23] =	ssyncset.done $0x0  }
0x36: {  	s29 =	simm.s32 $0xF0;
	s28 =	simm.s32 $0x280;
	[sflag:s23] =	ssyncadd.s32 $0xFFFFEC00  }
.LBB2_2:
0x37: {  	[tilespmem:s20], [sflag:$0x2] =	stream.indirect.gather [spmem:s3], $0x40, s29, s18, $0xb8;
	[tilespmem:$0x1FCC0] =	vst v63  }
0x38: {  	s29 =	smov.u32 s28  }
0x39: {  	p0 =	sne.s32 s28, $0x13380;
	s28 =	sadd.s32 $0x280, s28;
	_ =	swait.ge [sflag:s12], $0x1400  }
0x3a: {  	s29 =	sshra.s32 s29, $0x2;
	[sflag:s12] =	ssyncset.done $0x0  }
0x3b: {  	s30 =	sadd.s32 $0x4E20, s29;
	[sflag:s12] =	ssyncadd.s32 $0xFFFFEC00  }
0x3c: {  	[spmem:s2] =	stream.indirect.scatter.add.f32 [tilespmem:s19], [sflag:$0x3], $0x40, s30, s18, $0xb8;
	[tilespmem:$0x1FCC0] =	vst v63  }
0x3d: {  	_ =	swait.ge [sflag:s21], $0x1400  }
0x3e: {  	[sflag:s21] =	ssyncset.done $0x0  }
0x3f: {  	s30 =	sadd.s32 $0x4E70, s29;
	[sflag:s21] =	ssyncadd.s32 $0xFFFFEC00  }
0x40: {  	[spmem:s2] =	stream.indirect.scatter.add.f32 [tilespmem:s20], [sflag:$0x4], $0x40, s30, s18, $0xb8;
	[tilespmem:$0x1FCC0] =	vst v63  }
0x41: {  	_ =	swait.ge [sflag:s22], $0x1400  }
0x42: {  	[sflag:s22] =	ssyncset.done $0x0  }
.Ltmp0:
0x43: {  	s30 =	sadd.s32 $0xA0, s29;
	[sflag:s22] =	ssyncadd.s32 $0xFFFFEC00;
	(pc) =	sbr.rel @p0 .LBB2_2-.Ltmp0, $4  }
0x44: {  	[tilespmem:s19], [sflag:$0x1] =	stream.indirect.gather [spmem:s3], $0x40, s30, s18, $0xb8;
	[tilespmem:$0x1FCC0] =	vst v63  }
0x45: {  	_ =	swait.ge [sflag:s23], $0x1400  }
0x46: {  	[sflag:s23] =	ssyncset.done $0x0  }
0x47: {  	s29 =	sadd.s32 $0xF0, s29;
	[sflag:s23] =	ssyncadd.s32 $0xFFFFEC00  }
0x48: {  	[tilespmem:s20], [sflag:$0x2] =	stream.indirect.gather [spmem:s3], $0x40, s29, s18, $0xb8;
	[tilespmem:$0x1FCC0] =	vst v63  }
0x49: {  	_ =	swait.ge [sflag:s12], $0x1400  }
0x4a: {  	[sflag:s12] =	ssyncset.done $0x0  }
0x4b: {  	[sflag:s12] =	ssyncadd.s32 $0xFFFFEC00  }
0x4c: {  	[spmem:s2] =	stream.indirect.scatter.add.f32 [tilespmem:s19], [sflag:$0x3], $0x40, s24, s18, $0xb8;
	[tilespmem:$0x1FCC0] =	vst v63  }
0x4d: {  	_ =	swait.ge [sflag:s21], $0x1400  }
0x4e: {  	[sflag:s21] =	ssyncset.done $0x0  }
0x4f: {  	[sflag:s21] =	ssyncadd.s32 $0xFFFFEC00  }
0x50: {  	[spmem:s2] =	stream.indirect.scatter.add.f32 [tilespmem:s20], [sflag:$0x4], $0x40, s25, s18, $0xb8;
	[tilespmem:$0x1FCC0] =	vst v63  }
0x51: {  	_ =	swait.ge [sflag:s22], $0x1400  }
0x52: {  	[sflag:s22] =	ssyncset.done $0x0  }
0x53: {  	[sflag:s22] =	ssyncadd.s32 $0xFFFFEC00  }
0x54: {  	[tilespmem:s19], [sflag:$0x1] =	stream.indirect.gather [spmem:s3], $0x40, s4, s18, $0xb8;
	[tilespmem:$0x1FCC0] =	vst v63  }
0x55: {  	_ =	swait.ge [sflag:s23], $0x1400  }
0x56: {  	[sflag:s23] =	ssyncset.done $0x0  }
0x57: {  	[sflag:s23] =	ssyncadd.s32 $0xFFFFEC00  }
0x58: {  	[tilespmem:s20], [sflag:$0x2] =	stream.indirect.gather [spmem:s3], $0x40, s18, s18, $0xb8;
	[tilespmem:$0x1FCC0] =	vst v63  }
0x59: {  	_ =	swait.ge [sflag:s12], $0x1400  }
0x5a: {  	[sflag:s12] =	ssyncset.done $0x0  }
0x5b: {  	[sflag:s12] =	ssyncadd.s32 $0xFFFFEC00  }
0x5c: {  	_ =	swait.ge [sflag:s21], $0x1400  }
0x5d: {  	s26 =	sadd.s32 $0x1, s26;
	[sflag:s21] =	ssyncset.done $0x0  }
0x5e: {  	p0 =	sne.s32 s26, s10;
	[sflag:s21] =	ssyncadd.s32 $0xFFFFEC00  }
.Ltmp1:
0x5f: {  	[bflag:$0x0] =	sbarrier.arrive $0xFFFF;
	(pc) =	sbr.rel @p0 .LBB2_1-.Ltmp1, $4  }
0x60: {  	[hbm:s9@s14], [sflag:s6] =	dma.strided [spmem:s11@s13], $0x1388, s12, $0x8   }
0x61: {  	_ =	swait.ge [sflag:s15], $0x1388  }
0x62: {  	[sflag:s15] =	ssyncset.done $0x0  }
0x63: {  	[sflag:s15] =	ssyncadd.s32 $0xFFFFEC78  }
0x64: {  	_ =	sfence.sel $0x180000  }
0x65: {  	[bflag:$0x0] =	sbarrier.arrive $0xFFFF  }
0x66: {  	p0 =	sne.s32 s1, $0x0;
	_ =	strace $0x9000004A  }
0x67: {  	s0 =	sadd.s32 @!p0 $0x100000, s0;
	[bflag:$0x2] =	sbarrier.arrive $0xFFFF  }
0x68: {  	[sflag:s0] =	ssyncadd.tile.s32 @!p0 $0x1;
	_ =	shalt  }
.Lfunc_end2:
_tile_overlayer_lowered:
.L_overlay_start_2:
0x69: {  	(tag) =	ssettag $0x2  }
0x6a: {  	s0 =	rddreg [dreg:$0x0];
	s2 =	stileid.u32  }
0x6b: {  	s1 =	rddreg [dreg:$0x1];
	p0 =	sne.s32 s2, $0x0  }
0x6c: {  	s3 =	rddreg [dreg:$0x2];
	[bflag:$0x3] =	sbarrier.arrive $0xFFFF;
	s2 =	simm.s32 @!p0 $0x1C05  }
0x6d: {  	[timem:s3], [sflag:s2] =	dma.local @!p0 [hbm:s0], s1  }
0x6e: {  	s0 =	simm.s32 @!p0 $0x5  }
0x6f: {  	_ =	swait.ge @!p0 [sflag:s0], s1  }
0x70: {  	s1 =	ssub.s32 @!p0 $0x0, s1;
	[sflag:s0] =	ssyncset.done @!p0 $0x0  }
0x71: {  	[sflag:s0] =	ssyncadd.s32 @!p0 s1  }
0x72: {  	[bflag:$0x3] =	sbarrier.arrive $0xFFFF  }
0x73: {  	_ =	shalt  }

// kernel: kernel.14.cloned.1.call-start
scs
__scs_entry_jumppad:
0x0: {  	(pc) =	sbr.rel $0x88, $3  }
0x1: {  	(tag) =	ssettag $0x0;
	lr =	simm.s32 $0x1  }
0x2: {  	[smem:$0x3F9B] =	sst lr;
	_ =	strace $0xD0000000  }
0x3: {  	_ = 	snop  }
0x4: {  	_ = 	snop  }
0x5: {  	_ = 	snop  }
0x6: {  	_ = 	snop  }
0x7: {  	_ = 	snop  }
__scs_overlays_trampoline_lowered:
0x8: {  	[smem:$0x3FAA] =	sst s0  }
0x9: {  	[smem:$0x3FAB] =	sst s1  }
0xa: {  	[smem:$0x3FAC] =	sst s2  }
0xb: {  	[smem:$0x3FAD] =	sst s3  }
0xc: {  	[smem:$0x3FAE] =	sst s4  }
0xd: {  	[smem:$0x3FAF] =	sst s5  }
0xe: {  	[smem:$0x3FB0] =	sst s6  }
0xf: {  	[smem:$0x3FB1] =	sst s7  }
0x10: {  	[smem:$0x3FB2] =	sst s8  }
0x11: {  	[smem:$0x3FB3] =	sst s9;
	s0 =	simm.s32 @!p0 $0x0  }
0x12: {  	s1 =	sld [smem:$0x3F99];
	s0 =	simm.s32 @p0 $0x1  }
0x13: {  	[smem:$0x3FB4] =	sst s0;
	s0 =	simm.s32 @!p1 $0x0  }
0x14: {  	s2 =	sld [smem:$0x3F98];
	s0 =	simm.s32 @p1 $0x1  }
0x15: {  	[smem:$0x3FB5] =	sst s0;
	s0 =	simm.s32 @!p2 $0x0  }
0x16: {  	s3 =	sld [smem:$0x3FDB];
	s0 =	simm.s32 @p2 $0x1  }
0x17: {  	s4 =	simm.s32 $0x1BF5;
	[smem:$0x3FB7] =	sst s0  }
0x18: {  	s0 =	sld [smem:$0x3F9A];
	_ =	swait.ge [sflag:s4], $0x0  }
0x19: {  	s7 =	sld [smem:$0x3F9B]  }
0x1a: {  	s8 =	sadd.s32 $0xFFFFE003, lr  }
0x1b: {  	s9 =	sadd.s32 $0xFFFFFEF7, lr;
	s5 =	simm.s32 $0xFFFFFFFF;
	p2 =	slt.u32 s8, $0xFFFFF086  }
0x1c: {  	p1 =	slt.u32 s9, $0xF7A;
	s5 =	simm.s32 @!p2 $0x0  }
0x1d: {  	s5 =	simm.s32 @p1 $0x1;
	p0 =	seq.s32 s7, s2  }
0x1e: {  	s7 =	smul.u32 @!p0 $0xF7A, s2;
	p2 =	seq.s32 @!p0 s5, $0x0  }
0x1f: {  	s9 =	smul.u32 $0xF7A, s1;
	s8 =	simm.s32 @!p0 $0x1BF5;
	p2 =	por !p2, p0  }
0x20: {  	[sflag:s8] =	ssyncset.s32 @!p0 $0xFFFFF086;
	s6 =	sadd.s32 @!p0 s3, s7;
	s7 =	simm.s32 @!p0 $0x108  }
0x21: {  	s3 =	sadd.s32 s3, s9;
	s6 =	sadd.s32 @!p0 $0x88, s6;
	s7 =	simm.s32 @p2 $0x1082  }
0x22: {  	[simem:s7], [sflag:s8] =	dma.local @!p0 [hbm:s6], $0xF7A  }
0x23: {  	s9 =	sor.u32 $0xD0000000, s2;
	s6 =	simm.s32 $0x108;
	_ =	swait.ge @!p0 [sflag:s8], $0x0  }
0x24: {  	s3 =	sadd.s32 $0x88, s3;
	s6 =	simm.s32 @!p1 $0x1082;
	[sflag:s4] =	ssyncset.s32 $0xFFFFF086  }
0x25: {  	[simem:s6], [sflag:s4] =	dma.local [hbm:s3], $0xF7A  }
0x26: {  	[smem:$0x3F9B] =	sst s1;
	(tag) =	ssettag s2;
	_ =	strace s9  }
0x27: {  	s1 =	sld [smem:$0x3FAB]  }
0x28: {  	s2 =	sld [smem:$0x3FAC]  }
0x29: {  	s4 =	sld [smem:$0x3FAE]  }
0x2a: {  	p0 =	seq.s32 s5, $0x0;
	s5 =	sld [smem:$0x3FAF]  }
0x2b: {  	s6 =	sld [smem:$0x3FB0]  }
0x2c: {  	s7 =	sld [smem:$0x3FB1]  }
0x2d: {  	s3 =	simm.s32 $0x108;
	s8 =	sld [smem:$0x3FB2]  }
0x2e: {  	s3 =	simm.s32 @!p0 $0x1082;
	s9 =	sld [smem:$0x3FB3]  }
0x2f: {  	lr =	sadd.s32 s0, s3;
	s0 =	sld [smem:$0x3FAA]  }
0x30: {  	s3 =	sld [smem:$0x3FAD]  }
0x31: {  	[smem:$0x3FB6] =	sst s10  }
0x32: {  	s10 =	sld [smem:$0x3FB4];
	_ =	sdelay $0x3  }
0x33: {  	p0 =	seq.s32 s10, $0x1;
	s10 =	sld [smem:$0x3FB6];
	_ =	sdelay $0x3  }
0x34: {  	[smem:$0x3FB6] =	sst s10  }
0x35: {  	s10 =	sld [smem:$0x3FB5];
	_ =	sdelay $0x3  }
0x36: {  	p1 =	seq.s32 s10, $0x1;
	s10 =	sld [smem:$0x3FB6];
	_ =	sdelay $0x3  }
0x37: {  	[smem:$0x3FB6] =	sst s10  }
0x38: {  	s10 =	sld [smem:$0x3FB7]  }
0x39: {  	_ = 	snop;
	(pc) =	sbr.ind lr, $3  }
0x3a: {  	_ = 	snop  }
0x3b: {  	_ = 	snop  }
0x3c: {  	p2 =	seq.s32 s10, $0x1;
	s10 =	sld [smem:$0x3FB6]  }
0x3d: {  	_ =	shalt  }
0x3e: {  	_ =	shalt  }
0x3f: {  	_ =	shalt  }
0x40: {  	_ =	shalt  }
0x41: {  	_ =	shalt  }
0x42: {  	_ =	shalt  }
0x43: {  	_ =	shalt  }
0x44: {  	_ =	shalt  }
0x45: {  	_ =	shalt  }
0x46: {  	_ =	shalt  }
0x47: {  	_ =	shalt  }
0x48: {  	_ =	shalt  }
0x49: {  	_ =	shalt  }
0x4a: {  	_ =	shalt  }
0x4b: {  	_ =	shalt  }
0x4c: {  	_ =	shalt  }
0x4d: {  	_ =	shalt  }
0x4e: {  	_ =	shalt  }
0x4f: {  	_ =	shalt  }
0x50: {  	_ =	shalt  }
0x51: {  	_ =	shalt  }
0x52: {  	_ =	shalt  }
0x53: {  	_ =	shalt  }
0x54: {  	_ =	shalt  }
0x55: {  	_ =	shalt  }
0x56: {  	_ =	shalt  }
0x57: {  	_ =	shalt  }
0x58: {  	_ =	shalt  }
0x59: {  	_ =	shalt  }
0x5a: {  	_ =	shalt  }
0x5b: {  	_ =	shalt  }
0x5c: {  	_ =	shalt  }
0x5d: {  	_ =	shalt  }
0x5e: {  	_ =	shalt  }
0x5f: {  	_ =	shalt  }
0x60: {  	_ =	shalt  }
0x61: {  	_ =	shalt  }
0x62: {  	_ =	shalt  }
0x63: {  	_ =	shalt  }
0x64: {  	_ =	shalt  }
0x65: {  	_ =	shalt  }
0x66: {  	_ =	shalt  }
0x67: {  	_ =	shalt  }
0x68: {  	_ =	shalt  }
0x69: {  	_ =	shalt  }
0x6a: {  	_ =	shalt  }
0x6b: {  	_ =	shalt  }
0x6c: {  	_ =	shalt  }
0x6d: {  	_ =	shalt  }
0x6e: {  	_ =	shalt  }
0x6f: {  	_ =	shalt  }
0x70: {  	_ =	shalt  }
0x71: {  	_ =	shalt  }
0x72: {  	_ =	shalt  }
0x73: {  	_ =	shalt  }
0x74: {  	_ =	shalt  }
0x75: {  	_ =	shalt  }
0x76: {  	_ =	shalt  }
0x77: {  	_ =	shalt  }
0x78: {  	_ =	shalt  }
0x79: {  	_ =	shalt  }
0x7a: {  	_ =	shalt  }
0x7b: {  	_ =	shalt  }
0x7c: {  	_ =	shalt  }
0x7d: {  	_ =	shalt  }
0x7e: {  	_ =	shalt  }
0x7f: {  	_ =	shalt  }
0x80: {  	_ =	shalt  }
0x81: {  	_ =	shalt  }
0x82: {  	_ =	shalt  }
0x83: {  	_ =	shalt  }
0x84: {  	_ =	shalt  }
0x85: {  	_ =	shalt  }
0x86: {  	_ =	shalt  }
0x87: {  	_ =	shalt  }
.Lfunc_end0:
.L_simem_size_0:
called_computation.2_lowered:
.L_overlay_start_0:
0x88: {  	s2 =	sld [smem:$0x3FD9]  }
0x89: {  	s3 =	sld [smem:$0x3FFE];
	_ =	sdelay $0x1  }
0x8a: {  	s1 =	srdreg.scid  }
0x8b: {  	s0 =	sand.u32 $0x1, s1  }
0x8c: {  	s17 =	sshll.u32 s0, $0xA;
	s2 =	sadd.s32 s3, s2  }
0x8d: {  	s2 =	sadd.s32 s2, s17  }
0x8e: {  	[smem:$0x3FC2] =	sst s2  }
0x8f: {  	_ = 	snop  }
0x90: {  	s2 =	sld [smem:$0x3FD0];
	(tm) =	ssettm $0x1  }
0x91: {  	s18 =	sld [smem:$0x3FFB];
	_ =	sdelay $0x3  }
0x92: {  	_ =	strace s18  }
0x93: {  	s3 =	sld [smem:$0x3FFC];
	_ =	sdelay $0x3  }
0x94: {  	_ =	strace s3  }
0x95: {  	s3 =	sld [smem:$0x3FFD];
	_ =	sdelay $0x3  }
0x96: {  	_ =	strace s3  }
0x97: {  	_ =	strace $0x8FFFFFFF  }
0x98: {  	s19 =	sld [smem:$0x3FDB];
	_ =	sdelay $0x1  }
0x99: {  	s4 =	simm.s32 $_scs_section_size  }
0x9a: {  	s5 =	simm.s32 $_size__tile_overlayer_lowered;
	s6 =	simm.s32 $_tile_overlayer_lowered  }
0x9b: {  	s22 =	simm.s32 $0x1BFF;
	s21 =	sshll.u32 s6, $0x1;
	s3 =	sadd.s32 s4, s19  }
0x9c: {  	s7 =	simm.s32 $0x0;
	s20 =	sshll.u32 s5, $0x1;
	s5 =	sadd.s32 s21, s3  }
0x9d: {  	[timem:s7], [sflag:s22] =	dma.local [hbm:s5], s20  }
0x9e: {  	_ =	swait.ge [sflag:s22], s20  }
0x9f: {  	s4 =	ssub.s32 $0x0, s20;
	[sflag:s22] =	ssyncset.done $0x0  }
0xa0: {  	[sflag:s22] =	ssyncadd.s32 s4;
	_ =	sdelay $0x1  }
0xa1: {  	s23 =	simm.s32 $0x1B8B  }
0xa2: {  	_ =	swait.ge [sflag:s23], $0x1  }
0xa3: {  	[sflag:s23] =	ssyncset.done $0x0  }
0xa4: {  	s25 =	simm.s32 $0x1B8E;
	s24 =	sld [smem:$0x3FFE];
	[sflag:s23] =	ssyncadd.s32 $0xFFFFFFFF  }
0xa5: {  	s26 =	simm.s32 $execute0_lowered;
	[smem:$0x3FD2] =	sst s25  }
0xa6: {  	s5 =	sshll.u32 s26, $0x1;
	_ =	strace $0x8000004C;
	[dreg:$0x1] =	wrdreg $0xFFFFFFFF  }
0xa7: {  	s28 =	simm.s32 $_size_execute0_lowered;
	s3 =	sadd.s32 s3, s5;
	[dreg:$0x0] =	wrdreg $0x0  }
0xa8: {  	s5 =	sshll.u32 s28, $0x1;
	[dreg:$0x2] =	wrdreg s3  }
0xa9: {  	[dreg:$0x3] =	wrdreg s5  }
0xaa: {  	[dreg:$0x4] =	wrdreg $0xC0  }
0xab: {  	_ =	task [dreg:s7], $0x5FFFF  }
0xac: {  	[dreg:$0x1] =	wrdreg $0xFFFFFFFF  }
0xad: {  	[dreg:$0x0] =	wrdreg $0x60  }
0xae: {  	[dreg:$0x2] =	wrdreg s2  }
0xaf: {  	[dreg:$0x3] =	wrdreg s24  }
0xb0: {  	[dreg:$0x4] =	wrdreg $0xC4400  }
0xb1: {  	[dreg:$0x5] =	wrdreg $0x160800  }
0xb2: {  	[dreg:$0x6] =	wrdreg $0x9  }
0xb3: {  	_ =	task.clear_ibuf [dreg:s7], $0x7FFFF;
	_ =	strace $0x9000004C  }
0xb4: {  	s29 =	simm.s32 $0x9;
	_ =	strace $0x8000004E  }
0xb5: {  	_ =	swait.ge [sflag:s29], $0x1  }
0xb6: {  	[sflag:s29] =	ssyncadd.s32 $0xFFFFFFFF  }
0xb7: {  	_ =	strace $0x9000004E  }
0xb8: {  	_ =	sfence  }
0xb9: {  	s30 =	sld [smem:$0x0];
	_ =	sdelay $0x2  }
0xba: {  	s31 =	sshll.u32 s1, $0xD;
	s1 =	sshrl.u32 s1, $0x2  }
0xbb: {  	s3 =	sand.u32 $0x4000, s31;
	s1 =	sadd.s32 s1, s30  }
0xbc: {  	s0 =	sor.u32 s3, s0;
	s1 =	sshll.u32 s1, $0x11  }
0xbd: {  	s0 =	sor.u32 s1, s0  }
0xbe: {  	s0 =	sadd.s32 $0x8F2B, s0  }
0xbf: {  	[sflag:s0] =	ssyncadd.remote.s32 $0x1  }
0xc0: {  	_ =	sfence.sel $0xFFFF  }
0xc1: {  	[dreg:$0x0] =	wrdreg $0xFFFFFFFF;
	(pc) =	sbr.abs _section_cstart, $3  }
0xc2: {  	[dreg:$0x1] =	wrdreg $0xFFFFFFFF  }
0xc3: {  	_ =	task.clear_ibuf [dreg:s7], $0x2FFFF;
	_ =	strace $0x9FFFFFFF  }
0xc4: {  	(tm) =	ssettm $0x7FFFFFFF  }
0xc5: {  	_ =	shalt  }
tec
execute0_lowered:
.L_overlay_start_1:
0x0: {  	(tag) =	ssettag $0x1  }
0x1: {  	s5 =	rddreg [dreg:$0x0]  }
0x2: {  	s6 =	rddreg [dreg:$0x1]  }
0x3: {  	s2 =	rddreg [dreg:$0x2]  }
0x4: {  	s3 =	rddreg [dreg:$0x3]  }
0x5: {  	s0 =	rddreg [dreg:$0x4];
	s1 =	stileid.u32  }
0x6: {  	s4 =	simm.s32 $0x0;
	s8 =	srdreg.scid;
	s15 =	simm.s32 $0x5  }
0x7: {  	s17 =	simm.s32 $0x4E20;
	s18 =	simm.s32 $0x50;
	s19 =	simm.s32 $0x9C40  }
0x8: {  	s20 =	simm.s32 $0xB040;
	s21 =	simm.s32 $0x2;
	s22 =	simm.s32 $0x3  }
0x9: {  	s23 =	simm.s32 $0x4;
	s24 =	simm.s32 $0x9BA0;
	s7 =	smul.u32 $0x4E20, s1  }
0xa: {  	s25 =	simm.s32 $0x9BF0;
	s26 =	simm.s32 $0x0;
	s9 =	smul.u32 $0x13880, s1  }
0xb: {  	[smem:$0x7FF] =	sst s4;
	s8 =	sand.u32 $0x1, s8;
	s30 =	smul.u32 $0x9C40, s1  }
0xc: {  	s31 =	sshll.u32 s1, $0x6;
	_ =	strace $0x8000004D;
	s10 =	sshll.u32 s8, $0x6  }
0xd: {  	s8 =	ssub.s32 $0x2, s8;
	s7 =	sshrl.u32 s7, $0x3;
	s28 =	sor.u32 s10, s9  }
0xe: {  	s29 =	sshrl.u32 s8, $0x1;
	s14 =	sadd.s32 s30, s2;
	s16 =	sadd.s32 s30, s3  }
0xf: {  	s11 =	sadd.s32 s7, s6;
	s7 =	sshrl.u32 s28, $0x3;
	s13 =	ssub.s32 s8, s29  }
0x10: {  	s16 =	sshrl.u32 s16, $0x3;
	s12 =	sadd.s32 s7, s6;
	s5 =	sadd.s32 s5, s7  }
0x11: {  	s6 =	sor.u32 $0x1C05, s31;
	s7 =	sadd.s32 $0x3000, s11;
	s8 =	sadd.s32 $0xCC40, s11  }
0x12: {  	s10 =	smax.u32 s13, $0x1;
	s11 =	sshrl.u32 s14, $0x3;
	s13 =	simm.s32 $0x8  }
0x13: {  	s14 =	simm.s32 $0x10;
	s9 =	sadd.s32 $0x16A00, s12;
	s12 =	simm.s32 $0x1  }
.LBB2_1:
0x14: {  	[spmem:s11@s13], [sflag:s6] =	dma.strided [hbm:s5@s14], $0x1388, s12, $0x8   }
0x15: {  	_ =	swait.ge [sflag:s15], $0x1388  }
0x16: {  	[sflag:s15] =	ssyncset.done $0x0  }
0x17: {  	[sflag:s15] =	ssyncadd.s32 $0xFFFFEC78  }
0x18: {  	[spmem:s16@s13], [sflag:s6] =	dma.strided [hbm:s5@s14], $0x1388, s12, $0x8   }
0x19: {  	_ =	swait.ge [sflag:s15], $0x1388  }
0x1a: {  	[sflag:s15] =	ssyncset.done $0x0  }
0x1b: {  	[sflag:s15] =	ssyncadd.s32 $0xFFFFEC78  }
0x1c: {  	[tilespmem:s4], [sflag:$0x5] =	stream.linear.gather [hbm4b:s7+s4], $0x4E20, $0x38;
	[tilespmem:$0x1FCC0] =	vst v63  }
0x1d: {  	_ =	swait.ge [sflag:s15], $0x4E20  }
0x1e: {  	[sflag:s15] =	ssyncset.done $0x0  }
0x1f: {  	[sflag:s15] =	ssyncadd.s32 $0xFFFFB1E0  }
0x20: {  	[tilespmem:s17], [sflag:$0x5] =	stream.linear.gather [hbm4b:s8+s4], $0x4E20, $0x38;
	[tilespmem:$0x1FCC0] =	vst v63  }
0x21: {  	_ =	swait.ge [sflag:s15], $0x4E20  }
0x22: {  	[sflag:s15] =	ssyncset.done $0x0  }
0x23: {  	[sflag:s15] =	ssyncadd.s32 $0xFFFFB1E0  }
0x24: {  	[bflag:$0x0] =	sbarrier.arrive $0xFFFF  }
0x25: {  	[tilespmem:s19], [sflag:$0x1] =	stream.indirect.gather [spmem:s3], $0x40, s4, s18, $0xb8;
	[tilespmem:$0x1FCC0] =	vst v63  }
0x26: {  	_ = 	snop  }
0x27: {  	[tilespmem:s20], [sflag:$0x2] =	stream.indirect.gather [spmem:s3], $0x40, s18, s18, $0xb8;
	[tilespmem:$0x1FCC0] =	vst v63  }
0x28: {  	_ =	swait.ge [sflag:s12], $0x1400  }
0x29: {  	[sflag:s12] =	ssyncset.done $0x0  }
0x2a: {  	s28 =	simm.s32 $0x4E20;
	[sflag:s12] =	ssyncadd.s32 $0xFFFFEC00  }
0x2b: {  	[spmem:s2] =	stream.indirect.scatter.add.f32 [tilespmem:s19], [sflag:$0x3], $0x40, s28, s18, $0xb8;
	[tilespmem:$0x1FCC0] =	vst v63  }
0x2c: {  	_ =	swait.ge [sflag:s21], $0x1400  }
0x2d: {  	[sflag:s21] =	ssyncset.done $0x0  }
0x2e: {  	s28 =	simm.s32 $0x4E70;
	[sflag:s21] =	ssyncadd.s32 $0xFFFFEC00  }
0x2f: {  	[spmem:s2] =	stream.indirect.scatter.add.f32 [tilespmem:s20], [sflag:$0x4], $0x40, s28, s18, $0xb8;
	[tilespmem:$0x1FCC0] =	vst v63  }
0x30: {  	_ =	swait.ge [sflag:s22], $0x1400  }
0x31: {  	[sflag:s22] =	ssyncset.done $0x0  }
0x32: {  	s28 =	simm.s32 $0xA0;
	[sflag:s22] =	ssyncadd.s32 $0xFFFFEC00  }
0x33: {  	[tilespmem:s19], [sflag:$0x1] =	stream.indirect.gather [spmem:s3], $0x40, s28, s18, $0xb8;
	[tilespmem:$0x1FCC0] =	vst v63  }
0x34: {  	_ =	swait.ge [sflag:s23], $0x1400  }
0x35: {  	[sflag:s23] =	ssyncset.done $0x0  }
0x36: {  	s29 =	simm.s32 $0xF0;
	s28 =	simm.s32 $0x280;
	[sflag:s23] =	ssyncadd.s32 $0xFFFFEC00  }
.LBB2_2:
0x37: {  	[tilespmem:s20], [sflag:$0x2] =	stream.indirect.gather [spmem:s3], $0x40, s29, s18, $0xb8;
	[tilespmem:$0x1FCC0] =	vst v63  }
0x38: {  	s29 =	smov.u32 s28  }
0x39: {  	p0 =	sne.s32 s28, $0x13380;
	s28 =	sadd.s32 $0x280, s28;
	_ =	swait.ge [sflag:s12], $0x1400  }
0x3a: {  	s29 =	sshra.s32 s29, $0x2;
	[sflag:s12] =	ssyncset.done $0x0  }
0x3b: {  	s30 =	sadd.s32 $0x4E20, s29;
	[sflag:s12] =	ssyncadd.s32 $0xFFFFEC00  }
0x3c: {  	[spmem:s2] =	stream.indirect.scatter.add.f32 [tilespmem:s19], [sflag:$0x3], $0x40, s30, s18, $0xb8;
	[tilespmem:$0x1FCC0] =	vst v63  }
0x3d: {  	_ =	swait.ge [sflag:s21], $0x1400  }
0x3e: {  	[sflag:s21] =	ssyncset.done $0x0  }
0x3f: {  	s30 =	sadd.s32 $0x4E70, s29;
	[sflag:s21] =	ssyncadd.s32 $0xFFFFEC00  }
0x40: {  	[spmem:s2] =	stream.indirect.scatter.add.f32 [tilespmem:s20], [sflag:$0x4], $0x40, s30, s18, $0xb8;
	[tilespmem:$0x1FCC0] =	vst v63  }
0x41: {  	_ =	swait.ge [sflag:s22], $0x1400  }
0x42: {  	[sflag:s22] =	ssyncset.done $0x0  }
.Ltmp0:
0x43: {  	s30 =	sadd.s32 $0xA0, s29;
	[sflag:s22] =	ssyncadd.s32 $0xFFFFEC00;
	(pc) =	sbr.rel @p0 .LBB2_2-.Ltmp0, $4  }
0x44: {  	[tilespmem:s19], [sflag:$0x1] =	stream.indirect.gather [spmem:s3], $0x40, s30, s18, $0xb8;
	[tilespmem:$0x1FCC0] =	vst v63  }
0x45: {  	_ =	swait.ge [sflag:s23], $0x1400  }
0x46: {  	[sflag:s23] =	ssyncset.done $0x0  }
0x47: {  	s29 =	sadd.s32 $0xF0, s29;
	[sflag:s23] =	ssyncadd.s32 $0xFFFFEC00  }
0x48: {  	[tilespmem:s20], [sflag:$0x2] =	stream.indirect.gather [spmem:s3], $0x40, s29, s18, $0xb8;
	[tilespmem:$0x1FCC0] =	vst v63  }
0x49: {  	_ =	swait.ge [sflag:s12], $0x1400  }
0x4a: {  	[sflag:s12] =	ssyncset.done $0x0  }
0x4b: {  	[sflag:s12] =	ssyncadd.s32 $0xFFFFEC00  }
0x4c: {  	[spmem:s2] =	stream.indirect.scatter.add.f32 [tilespmem:s19], [sflag:$0x3], $0x40, s24, s18, $0xb8;
	[tilespmem:$0x1FCC0] =	vst v63  }
0x4d: {  	_ =	swait.ge [sflag:s21], $0x1400  }
0x4e: {  	[sflag:s21] =	ssyncset.done $0x0  }
0x4f: {  	[sflag:s21] =	ssyncadd.s32 $0xFFFFEC00  }
0x50: {  	[spmem:s2] =	stream.indirect.scatter.add.f32 [tilespmem:s20], [sflag:$0x4], $0x40, s25, s18, $0xb8;
	[tilespmem:$0x1FCC0] =	vst v63  }
0x51: {  	_ =	swait.ge [sflag:s22], $0x1400  }
0x52: {  	[sflag:s22] =	ssyncset.done $0x0  }
0x53: {  	[sflag:s22] =	ssyncadd.s32 $0xFFFFEC00  }
0x54: {  	[tilespmem:s19], [sflag:$0x1] =	stream.indirect.gather [spmem:s3], $0x40, s4, s18, $0xb8;
	[tilespmem:$0x1FCC0] =	vst v63  }
0x55: {  	_ =	swait.ge [sflag:s23], $0x1400  }
0x56: {  	[sflag:s23] =	ssyncset.done $0x0  }
0x57: {  	[sflag:s23] =	ssyncadd.s32 $0xFFFFEC00  }
0x58: {  	[tilespmem:s20], [sflag:$0x2] =	stream.indirect.gather [spmem:s3], $0x40, s18, s18, $0xb8;
	[tilespmem:$0x1FCC0] =	vst v63  }
0x59: {  	_ =	swait.ge [sflag:s12], $0x1400  }
0x5a: {  	[sflag:s12] =	ssyncset.done $0x0  }
0x5b: {  	[sflag:s12] =	ssyncadd.s32 $0xFFFFEC00  }
0x5c: {  	_ =	swait.ge [sflag:s21], $0x1400  }
0x5d: {  	s26 =	sadd.s32 $0x1, s26;
	[sflag:s21] =	ssyncset.done $0x0  }
0x5e: {  	p0 =	sne.s32 s26, s10;
	[sflag:s21] =	ssyncadd.s32 $0xFFFFEC00  }
.Ltmp1:
0x5f: {  	[bflag:$0x0] =	sbarrier.arrive $0xFFFF;
	(pc) =	sbr.rel @p0 .LBB2_1-.Ltmp1, $4  }
0x60: {  	[hbm:s9@s14], [sflag:s6] =	dma.strided [spmem:s11@s13], $0x1388, s12, $0x8   }
0x61: {  	_ =	swait.ge [sflag:s15], $0x1388  }
0x62: {  	[sflag:s15] =	ssyncset.done $0x0  }
0x63: {  	[sflag:s15] =	ssyncadd.s32 $0xFFFFEC78  }
0x64: {  	_ =	sfence.sel $0x180000  }
0x65: {  	[bflag:$0x0] =	sbarrier.arrive $0xFFFF  }
0x66: {  	p0 =	sne.s32 s1, $0x0;
	_ =	strace $0x9000004D  }
0x67: {  	s0 =	sadd.s32 @!p0 $0x100000, s0;
	[bflag:$0x2] =	sbarrier.arrive $0xFFFF  }
0x68: {  	[sflag:s0] =	ssyncadd.tile.s32 @!p0 $0x1;
	_ =	shalt  }
.Lfunc_end2:
_tile_overlayer_lowered:
.L_overlay_start_2:
0x69: {  	(tag) =	ssettag $0x2  }
0x6a: {  	s0 =	rddreg [dreg:$0x0];
	s2 =	stileid.u32  }
0x6b: {  	s1 =	rddreg [dreg:$0x1];
	p0 =	sne.s32 s2, $0x0  }
0x6c: {  	s3 =	rddreg [dreg:$0x2];
	[bflag:$0x3] =	sbarrier.arrive $0xFFFF;
	s2 =	simm.s32 @!p0 $0x1C05  }
0x6d: {  	[timem:s3], [sflag:s2] =	dma.local @!p0 [hbm:s0], s1  }
0x6e: {  	s0 =	simm.s32 @!p0 $0x5  }
0x6f: {  	_ =	swait.ge @!p0 [sflag:s0], s1  }
0x70: {  	s1 =	ssub.s32 @!p0 $0x0, s1;
	[sflag:s0] =	ssyncset.done @!p0 $0x0  }
0x71: {  	[sflag:s0] =	ssyncadd.s32 @!p0 s1  }
0x72: {  	[bflag:$0x3] =	sbarrier.arrive $0xFFFF  }
0x73: {  	_ =	shalt  }

// kernel: kernel.8.cloned.1.call-start
scs
__scs_entry_jumppad:
0x0: {  	(pc) =	sbr.rel $0x88, $3  }
0x1: {  	(tag) =	ssettag $0x0;
	lr =	simm.s32 $0x1  }
0x2: {  	[smem:$0x3F9B] =	sst lr;
	_ =	strace $0xD0000000  }
0x3: {  	_ = 	snop  }
0x4: {  	_ = 	snop  }
0x5: {  	_ = 	snop  }
0x6: {  	_ = 	snop  }
0x7: {  	_ = 	snop  }
__scs_overlays_trampoline_lowered:
0x8: {  	[smem:$0x3FAA] =	sst s0  }
0x9: {  	[smem:$0x3FAB] =	sst s1  }
0xa: {  	[smem:$0x3FAC] =	sst s2  }
0xb: {  	[smem:$0x3FAD] =	sst s3  }
0xc: {  	[smem:$0x3FAE] =	sst s4  }
0xd: {  	[smem:$0x3FAF] =	sst s5  }
0xe: {  	[smem:$0x3FB0] =	sst s6  }
0xf: {  	[smem:$0x3FB1] =	sst s7  }
0x10: {  	[smem:$0x3FB2] =	sst s8  }
0x11: {  	[smem:$0x3FB3] =	sst s9;
	s0 =	simm.s32 @!p0 $0x0  }
0x12: {  	s1 =	sld [smem:$0x3F99];
	s0 =	simm.s32 @p0 $0x1  }
0x13: {  	[smem:$0x3FB4] =	sst s0;
	s0 =	simm.s32 @!p1 $0x0  }
0x14: {  	s2 =	sld [smem:$0x3F98];
	s0 =	simm.s32 @p1 $0x1  }
0x15: {  	[smem:$0x3FB5] =	sst s0;
	s0 =	simm.s32 @!p2 $0x0  }
0x16: {  	s3 =	sld [smem:$0x3FDB];
	s0 =	simm.s32 @p2 $0x1  }
0x17: {  	s4 =	simm.s32 $0x1BF5;
	[smem:$0x3FB7] =	sst s0  }
0x18: {  	s0 =	sld [smem:$0x3F9A];
	_ =	swait.ge [sflag:s4], $0x0  }
0x19: {  	s7 =	sld [smem:$0x3F9B]  }
0x1a: {  	s8 =	sadd.s32 $0xFFFFE003, lr  }
0x1b: {  	s9 =	sadd.s32 $0xFFFFFEF7, lr;
	s5 =	simm.s32 $0xFFFFFFFF;
	p2 =	slt.u32 s8, $0xFFFFF086  }
0x1c: {  	p1 =	slt.u32 s9, $0xF7A;
	s5 =	simm.s32 @!p2 $0x0  }
0x1d: {  	s5 =	simm.s32 @p1 $0x1;
	p0 =	seq.s32 s7, s2  }
0x1e: {  	s7 =	smul.u32 @!p0 $0xF7A, s2;
	p2 =	seq.s32 @!p0 s5, $0x0  }
0x1f: {  	s9 =	smul.u32 $0xF7A, s1;
	s8 =	simm.s32 @!p0 $0x1BF5;
	p2 =	por !p2, p0  }
0x20: {  	[sflag:s8] =	ssyncset.s32 @!p0 $0xFFFFF086;
	s6 =	sadd.s32 @!p0 s3, s7;
	s7 =	simm.s32 @!p0 $0x108  }
0x21: {  	s3 =	sadd.s32 s3, s9;
	s6 =	sadd.s32 @!p0 $0x88, s6;
	s7 =	simm.s32 @p2 $0x1082  }
0x22: {  	[simem:s7], [sflag:s8] =	dma.local @!p0 [hbm:s6], $0xF7A  }
0x23: {  	s9 =	sor.u32 $0xD0000000, s2;
	s6 =	simm.s32 $0x108;
	_ =	swait.ge @!p0 [sflag:s8], $0x0  }
0x24: {  	s3 =	sadd.s32 $0x88, s3;
	s6 =	simm.s32 @!p1 $0x1082;
	[sflag:s4] =	ssyncset.s32 $0xFFFFF086  }
0x25: {  	[simem:s6], [sflag:s4] =	dma.local [hbm:s3], $0xF7A  }
0x26: {  	[smem:$0x3F9B] =	sst s1;
	(tag) =	ssettag s2;
	_ =	strace s9  }
0x27: {  	s1 =	sld [smem:$0x3FAB]  }
0x28: {  	s2 =	sld [smem:$0x3FAC]  }
0x29: {  	s4 =	sld [smem:$0x3FAE]  }
0x2a: {  	p0 =	seq.s32 s5, $0x0;
	s5 =	sld [smem:$0x3FAF]  }
0x2b: {  	s6 =	sld [smem:$0x3FB0]  }
0x2c: {  	s7 =	sld [smem:$0x3FB1]  }
0x2d: {  	s3 =	simm.s32 $0x108;
	s8 =	sld [smem:$0x3FB2]  }
0x2e: {  	s3 =	simm.s32 @!p0 $0x1082;
	s9 =	sld [smem:$0x3FB3]  }
0x2f: {  	lr =	sadd.s32 s0, s3;
	s0 =	sld [smem:$0x3FAA]  }
0x30: {  	s3 =	sld [smem:$0x3FAD]  }
0x31: {  	[smem:$0x3FB6] =	sst s10  }
0x32: {  	s10 =	sld [smem:$0x3FB4];
	_ =	sdelay $0x3  }
0x33: {  	p0 =	seq.s32 s10, $0x1;
	s10 =	sld [smem:$0x3FB6];
	_ =	sdelay $0x3  }
0x34: {  	[smem:$0x3FB6] =	sst s10  }
0x35: {  	s10 =	sld [smem:$0x3FB5];
	_ =	sdelay $0x3  }
0x36: {  	p1 =	seq.s32 s10, $0x1;
	s10 =	sld [smem:$0x3FB6];
	_ =	sdelay $0x3  }
0x37: {  	[smem:$0x3FB6] =	sst s10  }
0x38: {  	s10 =	sld [smem:$0x3FB7]  }
0x39: {  	_ = 	snop;
	(pc) =	sbr.ind lr, $3  }
0x3a: {  	_ = 	snop  }
0x3b: {  	_ = 	snop  }
0x3c: {  	p2 =	seq.s32 s10, $0x1;
	s10 =	sld [smem:$0x3FB6]  }
0x3d: {  	_ =	shalt  }
0x3e: {  	_ =	shalt  }
0x3f: {  	_ =	shalt  }
0x40: {  	_ =	shalt  }
0x41: {  	_ =	shalt  }
0x42: {  	_ =	shalt  }
0x43: {  	_ =	shalt  }
0x44: {  	_ =	shalt  }
0x45: {  	_ =	shalt  }
0x46: {  	_ =	shalt  }
0x47: {  	_ =	shalt  }
0x48: {  	_ =	shalt  }
0x49: {  	_ =	shalt  }
0x4a: {  	_ =	shalt  }
0x4b: {  	_ =	shalt  }
0x4c: {  	_ =	shalt  }
0x4d: {  	_ =	shalt  }
0x4e: {  	_ =	shalt  }
0x4f: {  	_ =	shalt  }
0x50: {  	_ =	shalt  }
0x51: {  	_ =	shalt  }
0x52: {  	_ =	shalt  }
0x53: {  	_ =	shalt  }
0x54: {  	_ =	shalt  }
0x55: {  	_ =	shalt  }
0x56: {  	_ =	shalt  }
0x57: {  	_ =	shalt  }
0x58: {  	_ =	shalt  }
0x59: {  	_ =	shalt  }
0x5a: {  	_ =	shalt  }
0x5b: {  	_ =	shalt  }
0x5c: {  	_ =	shalt  }
0x5d: {  	_ =	shalt  }
0x5e: {  	_ =	shalt  }
0x5f: {  	_ =	shalt  }
0x60: {  	_ =	shalt  }
0x61: {  	_ =	shalt  }
0x62: {  	_ =	shalt  }
0x63: {  	_ =	shalt  }
0x64: {  	_ =	shalt  }
0x65: {  	_ =	shalt  }
0x66: {  	_ =	shalt  }
0x67: {  	_ =	shalt  }
0x68: {  	_ =	shalt  }
0x69: {  	_ =	shalt  }
0x6a: {  	_ =	shalt  }
0x6b: {  	_ =	shalt  }
0x6c: {  	_ =	shalt  }
0x6d: {  	_ =	shalt  }
0x6e: {  	_ =	shalt  }
0x6f: {  	_ =	shalt  }
0x70: {  	_ =	shalt  }
0x71: {  	_ =	shalt  }
0x72: {  	_ =	shalt  }
0x73: {  	_ =	shalt  }
0x74: {  	_ =	shalt  }
0x75: {  	_ =	shalt  }
0x76: {  	_ =	shalt  }
0x77: {  	_ =	shalt  }
0x78: {  	_ =	shalt  }
0x79: {  	_ =	shalt  }
0x7a: {  	_ =	shalt  }
0x7b: {  	_ =	shalt  }
0x7c: {  	_ =	shalt  }
0x7d: {  	_ =	shalt  }
0x7e: {  	_ =	shalt  }
0x7f: {  	_ =	shalt  }
0x80: {  	_ =	shalt  }
0x81: {  	_ =	shalt  }
0x82: {  	_ =	shalt  }
0x83: {  	_ =	shalt  }
0x84: {  	_ =	shalt  }
0x85: {  	_ =	shalt  }
0x86: {  	_ =	shalt  }
0x87: {  	_ =	shalt  }
.Lfunc_end0:
.L_simem_size_0:
called_computation_lowered:
.L_overlay_start_0:
0x88: {  	s2 =	sld [smem:$0x3FD9]  }
0x89: {  	s3 =	sld [smem:$0x3FFE];
	_ =	sdelay $0x1  }
0x8a: {  	s1 =	srdreg.scid  }
0x8b: {  	s0 =	sand.u32 $0x1, s1  }
0x8c: {  	s17 =	sshll.u32 s0, $0xA;
	s2 =	sadd.s32 s3, s2  }
0x8d: {  	s2 =	sadd.s32 s2, s17  }
0x8e: {  	[smem:$0x3FC2] =	sst s2  }
0x8f: {  	_ = 	snop  }
0x90: {  	s2 =	sld [smem:$0x3FD0];
	(tm) =	ssettm $0x1  }
0x91: {  	s18 =	sld [smem:$0x3FFB];
	_ =	sdelay $0x3  }
0x92: {  	_ =	strace s18  }
0x93: {  	s3 =	sld [smem:$0x3FFC];
	_ =	sdelay $0x3  }
0x94: {  	_ =	strace s3  }
0x95: {  	s3 =	sld [smem:$0x3FFD];
	_ =	sdelay $0x3  }
0x96: {  	_ =	strace s3  }
0x97: {  	_ =	strace $0x8FFFFFFF  }
0x98: {  	s19 =	sld [smem:$0x3FDB];
	_ =	sdelay $0x1  }
0x99: {  	s4 =	simm.s32 $_scs_section_size  }
0x9a: {  	s5 =	simm.s32 $_size__tile_overlayer_lowered;
	s6 =	simm.s32 $_tile_overlayer_lowered  }
0x9b: {  	s22 =	simm.s32 $0x1BFF;
	s21 =	sshll.u32 s6, $0x1;
	s3 =	sadd.s32 s4, s19  }
0x9c: {  	s7 =	simm.s32 $0x0;
	s20 =	sshll.u32 s5, $0x1;
	s5 =	sadd.s32 s21, s3  }
0x9d: {  	[timem:s7], [sflag:s22] =	dma.local [hbm:s5], s20  }
0x9e: {  	_ =	swait.ge [sflag:s22], s20  }
0x9f: {  	s4 =	ssub.s32 $0x0, s20;
	[sflag:s22] =	ssyncset.done $0x0  }
0xa0: {  	[sflag:s22] =	ssyncadd.s32 s4;
	_ =	sdelay $0x1  }
0xa1: {  	s23 =	simm.s32 $0x1B8B  }
0xa2: {  	_ =	swait.ge [sflag:s23], $0x1  }
0xa3: {  	[sflag:s23] =	ssyncset.done $0x0  }
0xa4: {  	s25 =	simm.s32 $0x1B8E;
	s24 =	sld [smem:$0x3FFE];
	[sflag:s23] =	ssyncadd.s32 $0xFFFFFFFF  }
0xa5: {  	s26 =	simm.s32 $execute0_lowered;
	[smem:$0x3FD2] =	sst s25  }
0xa6: {  	s5 =	sshll.u32 s26, $0x1;
	_ =	strace $0x80000046;
	[dreg:$0x1] =	wrdreg $0xFFFFFFFF  }
0xa7: {  	s28 =	simm.s32 $_size_execute0_lowered;
	s3 =	sadd.s32 s3, s5;
	[dreg:$0x0] =	wrdreg $0x0  }
0xa8: {  	s5 =	sshll.u32 s28, $0x1;
	[dreg:$0x2] =	wrdreg s3  }
0xa9: {  	[dreg:$0x3] =	wrdreg s5  }
0xaa: {  	[dreg:$0x4] =	wrdreg $0xC0  }
0xab: {  	_ =	task [dreg:s7], $0x5FFFF  }
0xac: {  	[dreg:$0x1] =	wrdreg $0xFFFFFFFF  }
0xad: {  	[dreg:$0x0] =	wrdreg $0x60  }
0xae: {  	[dreg:$0x2] =	wrdreg s2  }
0xaf: {  	[dreg:$0x3] =	wrdreg s24  }
0xb0: {  	[dreg:$0x4] =	wrdreg $0x83000  }
0xb1: {  	[dreg:$0x5] =	wrdreg $0x9  }
0xb2: {  	_ =	task.clear_ibuf [dreg:s7], $0x6FFFF;
	_ =	strace $0x90000046  }
0xb3: {  	s29 =	simm.s32 $0x9;
	_ =	strace $0x80000048  }
0xb4: {  	_ =	swait.ge [sflag:s29], $0x1  }
0xb5: {  	[sflag:s29] =	ssyncadd.s32 $0xFFFFFFFF  }
0xb6: {  	_ =	strace $0x90000048  }
0xb7: {  	_ =	sfence  }
0xb8: {  	s30 =	sld [smem:$0x0];
	_ =	sdelay $0x2  }
0xb9: {  	s31 =	sshll.u32 s1, $0xD;
	s1 =	sshrl.u32 s1, $0x2  }
0xba: {  	s3 =	sand.u32 $0x4000, s31;
	s1 =	sadd.s32 s1, s30  }
0xbb: {  	s0 =	sor.u32 s3, s0;
	s1 =	sshll.u32 s1, $0x11  }
0xbc: {  	s0 =	sor.u32 s1, s0  }
0xbd: {  	s0 =	sadd.s32 $0x8F2B, s0  }
0xbe: {  	[sflag:s0] =	ssyncadd.remote.s32 $0x1  }
0xbf: {  	_ =	sfence.sel $0xFFFF  }
0xc0: {  	[dreg:$0x0] =	wrdreg $0xFFFFFFFF;
	(pc) =	sbr.abs _section_cstart, $3  }
0xc1: {  	[dreg:$0x1] =	wrdreg $0xFFFFFFFF  }
0xc2: {  	_ =	task.clear_ibuf [dreg:s7], $0x2FFFF;
	_ =	strace $0x9FFFFFFF  }
0xc3: {  	(tm) =	ssettm $0x7FFFFFFF  }
tec
execute0_lowered:
.L_overlay_start_1:
0x0: {  	(tag) =	ssettag $0x1  }
0x1: {  	s4 =	rddreg [dreg:$0x0]  }
0x2: {  	s5 =	rddreg [dreg:$0x1]  }
0x3: {  	s2 =	rddreg [dreg:$0x2]  }
0x4: {  	s0 =	rddreg [dreg:$0x3];
	s6 =	srdreg.scid  }
0x5: {  	s1 =	stileid.u32;
	s3 =	simm.s32 $0x0;
	s11 =	simm.s32 $0x50  }
0x6: {  	s12 =	simm.s32 $0x8000;
	s15 =	simm.s32 $0x20;
	s16 =	simm.s32 $0x10  }
0x7: {  	s17 =	simm.s32 $0x0;
	s6 =	sand.u32 $0x1, s6;
	s7 =	smul.u32 $0x500, s1  }
0x8: {  	[smem:$0x7FF] =	sst s3;
	s10 =	smul.u32 $0xA00, s1;
	s29 =	sshll.u32 s1, $0xC  }
0x9: {  	s13 =	sshll.u32 s1, $0x6;
	s8 =	sshll.u32 s6, $0x7;
	_ =	strace $0x80000047  }
0xa: {  	s28 =	ssub.s32 $0x2, s6;
	s31 =	smul.u32 $0xFA00, s6;
	s13 =	sor.u32 $0x1C01, s13  }
0xb: {  	s7 =	sor.u32 s8, s7;
	s9 =	sshrl.u32 s28, $0x1;
	s30 =	sshrl.u32 s10, $0x2  }
0xc: {  	s10 =	simm.s32 $0x1;
	s7 =	sshrl.u32 s7, $0x3;
	s8 =	ssub.s32 s28, s9  }
0xd: {  	s9 =	simm.s32 $0x8080;
	s7 =	sadd.s32 s7, s5;
	s5 =	sadd.s32 s29, s4  }
0xe: {  	s4 =	sadd.s32 s30, s2;
	s5 =	sadd.s32 $0x10000, s5;
	s6 =	sadd.s32 $0x2600, s7  }
0xf: {  	v0 =	vimm.f32 $1.000000000e+00;
	v1 =	vimm.f32 $0.0e+00;
	s7 =	smax.u32 s8, $0x1;
	s8 =	sshrl.u32 s31, $0x2;
	s14 =	sshrl.u32 s4, $0x3  }
.LBB2_1:
0x10: {  	[tilespmem:$0x8000] =	vst v0  }
0x11: {  	[tilespmem:$0x8010] =	vst v0  }
0x12: {  	[tilespmem:$0x8020] =	vst v0  }
0x13: {  	[tilespmem:$0x8030] =	vst v0  }
0x14: {  	[tilespmem:$0x8040] =	vst v0  }
0x15: {  	[tilespmem:$0x8080] =	vst v1  }
0x16: {  	[tilespmem:$0x8090] =	vst v1  }
0x17: {  	[tilespmem:$0x80A0] =	vst v1  }
0x18: {  	[tilespmem:$0x80B0] =	vst v1  }
0x19: {  	[tilespmem:$0x80C0] =	vst v1  }
0x1a: {  	[tilespmem:$0x80D0] =	vst v1  }
0x1b: {  	[tilespmem:$0x80E0] =	vst v1  }
0x1c: {  	[tilespmem:$0x80F0] =	vst v1  }
0x1d: {  	[tilespmem:$0x8100] =	vst v1  }
0x1e: {  	[tilespmem:$0x8110] =	vst v1  }
0x1f: {  	[tilespmem:$0x8120] =	vst v1  }
0x20: {  	[tilespmem:$0x8130] =	vst v1  }
0x21: {  	[tilespmem:$0x8140] =	vst v1  }
0x22: {  	[tilespmem:$0x8150] =	vst v1  }
0x23: {  	[tilespmem:$0x8160] =	vst v1  }
0x24: {  	[tilespmem:$0x8170] =	vst v1  }
0x25: {  	[tilespmem:$0x8180] =	vst v1  }
0x26: {  	[tilespmem:$0x8190] =	vst v1  }
0x27: {  	[tilespmem:$0x81A0] =	vst v1  }
0x28: {  	[tilespmem:$0x81B0] =	vst v1  }
0x29: {  	[tilespmem:$0x81C0] =	vst v1  }
0x2a: {  	[tilespmem:$0x81D0] =	vst v1  }
0x2b: {  	[tilespmem:$0x81E0] =	vst v1  }
0x2c: {  	[tilespmem:$0x81F0] =	vst v1  }
0x2d: {  	[tilespmem:$0x8200] =	vst v1  }
0x2e: {  	[tilespmem:$0x8210] =	vst v1  }
0x2f: {  	[tilespmem:$0x8220] =	vst v1  }
0x30: {  	[tilespmem:$0x8230] =	vst v1  }
0x31: {  	[tilespmem:$0x8240] =	vst v1  }
0x32: {  	[tilespmem:$0x8250] =	vst v1  }
0x33: {  	[tilespmem:$0x8260] =	vst v1  }
0x34: {  	[tilespmem:$0x8270] =	vst v1  }
0x35: {  	[tilespmem:$0x8280] =	vst v1  }
0x36: {  	[tilespmem:$0x8290] =	vst v1  }
0x37: {  	[tilespmem:$0x82A0] =	vst v1  }
0x38: {  	[tilespmem:$0x82B0] =	vst v1  }
0x39: {  	[tilespmem:$0x82C0] =	vst v1  }
0x3a: {  	[tilespmem:$0x82D0] =	vst v1  }
0x3b: {  	[tilespmem:$0x82E0] =	vst v1  }
0x3c: {  	[tilespmem:$0x82F0] =	vst v1  }
0x3d: {  	[spmem:s4] =	stream.linear.scatter [tilespmem:s9], [sflag:$0x1], $0x280, $0x38;
	[tilespmem:$0x8580] =	vst v63  }
0x3e: {  	_ =	swait.ge [sflag:s10], $0x280  }
0x3f: {  	[sflag:s10] =	ssyncset.done $0x0  }
0x40: {  	[sflag:s10] =	ssyncadd.s32 $0xFFFFFD80  }
0x41: {  	[tilespmem:s3], [sflag:$0x1] =	stream.linear.gather [hbm4b:s5+s3], $0x7D00, $0x38;
	[tilespmem:$0x8580] =	vst v63  }
0x42: {  	_ =	swait.ge [sflag:s10], $0x7D00  }
0x43: {  	[sflag:s10] =	ssyncset.done $0x0  }
0x44: {  	[sflag:s10] =	ssyncadd.s32 $0xFFFF8300  }
0x45: {  	s18 =	sadd.s32 $0x0, s8;
	[bflag:$0x0] =	sbarrier.arrive $0xFFFF  }
0x46: {  	[spmem:s2] =	stream.indirect.scatter.add.f32 [tilespmem:s12], [sflag:$0x1], $0x1, s18, s11, $0xb8;
	[tilespmem:$0x8580] =	vst v63  }
0x47: {  	s18 =	simm.s32 $0x200;
	_ =	swait.ge [sflag:s10], $0x50  }
.LBB2_2:
0x48: {  	s19 =	sshra.s32 s18, $0x2;
	[sflag:s10] =	ssyncset.done $0x0;
	p0 =	sne.s32 s18, $0xF800  }
.Ltmp0:
0x49: {  	s19 =	sadd.s32 s19, s8;
	[sflag:s10] =	ssyncadd.s32 $0xFFFFFFB0;
	(pc) =	sbr.rel @p0 .LBB2_2-.Ltmp0, $3  }
0x4a: {  	[spmem:s2] =	stream.indirect.scatter.add.f32 [tilespmem:s12], [sflag:$0x1], $0x1, s19, s11, $0xb8;
	[tilespmem:$0x8580] =	vst v63  }
0x4b: {  	s18 =	sadd.s32 $0x200, s18;
	_ =	sdelay $0x1  }
0x4c: {  	_ =	swait.ge [sflag:s10], $0x50  }
0x4d: {  	[sflag:s10] =	ssyncset.done $0x0;
	s17 =	sadd.s32 $0x1, s17  }
0x4e: {  	[sflag:s10] =	ssyncadd.s32 $0xFFFFFFB0;
	p0 =	sne.s32 s17, s7  }
.Ltmp1:
0x4f: {  	[bflag:$0x0] =	sbarrier.arrive $0xFFFF;
	(pc) =	sbr.rel @p0 .LBB2_1-.Ltmp1, $4  }
0x50: {  	[hbm:s6@s15], [sflag:s13] =	dma.strided [spmem:s14@s16], $0x50, s10, $0x10   }
0x51: {  	_ =	swait.ge [sflag:s10], $0x50  }
0x52: {  	[sflag:s10] =	ssyncset.done $0x0  }
0x53: {  	[sflag:s10] =	ssyncadd.s32 $0xFFFFFFB0  }
0x54: {  	_ =	sfence.sel $0x180000  }
0x55: {  	[bflag:$0x0] =	sbarrier.arrive $0xFFFF  }
0x56: {  	p0 =	sne.s32 s1, $0x0;
	_ =	strace $0x90000047  }
0x57: {  	s0 =	sadd.s32 @!p0 $0x100000, s0;
	[bflag:$0x2] =	sbarrier.arrive $0xFFFF  }
0x58: {  	[sflag:s0] =	ssyncadd.tile.s32 @!p0 $0x1;
	_ =	shalt  }
.Lfunc_end2:
_tile_overlayer_lowered:
.L_overlay_start_2:
0x59: {  	(tag) =	ssettag $0x2  }
0x5a: {  	s0 =	rddreg [dreg:$0x0];
	s2 =	stileid.u32  }
0x5b: {  	s1 =	rddreg [dreg:$0x1];
	p0 =	sne.s32 s2, $0x0  }
0x5c: {  	s3 =	rddreg [dreg:$0x2];
	[bflag:$0x3] =	sbarrier.arrive $0xFFFF;
	s2 =	simm.s32 @!p0 $0x1C01  }
0x5d: {  	[timem:s3], [sflag:s2] =	dma.local @!p0 [hbm:s0], s1  }
0x5e: {  	s0 =	simm.s32 @!p0 $0x1  }
0x5f: {  	_ =	swait.ge @!p0 [sflag:s0], s1  }
0x60: {  	s1 =	ssub.s32 @!p0 $0x0, s1;
	[sflag:s0] =	ssyncset.done @!p0 $0x0  }
0x61: {  	[sflag:s0] =	ssyncadd.s32 @!p0 s1  }
0x62: {  	[bflag:$0x3] =	sbarrier.arrive $0xFFFF  }
0x63: {  	_ =	shalt  }

</sc_bundles>
